<compile_context>
chip_gen: v7x
topology: tpu7x:2x2x1
jax: 0.10.2.dev20260603
libtpu: 0.0.44.dev20260713+nightly
codegen_flags: <defaults>
</compile_context>

<pallas_src>
import functools

import jax
import jax.numpy as jnp
from jax import lax
from jax.experimental import pallas as pl
from jax.experimental.pallas import tpu as pltpu
from jax.experimental.pallas import tpu_sc as plsc

NUM_CHANNELS = 96
NUM_PIXELS = 512 * 512
NUM_SAMPLES = 26214

NC = 2
NS = 16
CPC = NUM_CHANNELS // NC
TPW = 1640
S_PAD = NS * TPW
SEG = NUM_PIXELS // NS
NSLOT = 3


def _sc_gather(img_flat_hbm, idxp_hbm):
    mesh = plsc.VectorSubcoreMesh(core_axis_name="c", subcore_axis_name="s")

    @functools.partial(
        pl.kernel,
        mesh=mesh,
        out_type=jax.ShapeDtypeStruct((NUM_CHANNELS * S_PAD,), jnp.float32),
        scratch_types=[
            pltpu.VMEM((TPW,), jnp.int32),
            pltpu.VMEM((CPC * TPW,), jnp.float32),
            pltpu.VMEM_SHARED((NSLOT * NUM_PIXELS,), jnp.float32),
            pltpu.SemaphoreType.DMA,
            pltpu.SemaphoreType.DMA,
            pltpu.SemaphoreType.DMA,
            pltpu.SemaphoreType.DMA,
            pltpu.SemaphoreType.DMA,
        ],
    )
    def k(img_hbm, idx_hbm, out_hbm, idx_v, res_v, rows_s,
          sem_s0, sem_s1, sem_g0, sem_g1, sem_w):
        cid = lax.axis_index("c")
        sid = lax.axis_index("s")
        c0 = cid * CPC
        pltpu.sync_copy(idx_hbm.at[pl.ds(sid * TPW, TPW)], idx_v)

        def stage(k_next, sem):
            slot = lax.rem(k_next, NSLOT)
            src = pl.ds(pl.multiple_of((c0 + k_next) * NUM_PIXELS + sid * SEG, 8),
                        SEG)
            dst = pl.ds(pl.multiple_of(slot * NUM_PIXELS + sid * SEG, 8), SEG)
            pltpu.async_copy(img_hbm.at[src], rows_s.at[dst], sem)

        def wait_stage(sem):
            pltpu.make_async_copy(img_hbm.at[pl.ds(0, SEG)],
                                  rows_s.at[pl.ds(0, SEG)], sem).wait()

        def fire_gather(kk, sem):
            slot = lax.rem(kk, NSLOT)
            src = rows_s.at[pl.ds(pl.multiple_of(slot * NUM_PIXELS, 8),
                                  NUM_PIXELS)]
            for (o, n) in ((0, 416), (416, 408), (824, 408), (1232, 408)):
                dst = res_v.at[pl.ds(kk * TPW + o, n)]
                pltpu.async_copy(src.at[idx_v.at[pl.ds(o, n)]], dst, sem)

        def wait_gather(sem):
            pltpu.make_async_copy(img_hbm.at[pl.ds(0, TPW)],
                                  res_v.at[pl.ds(0, TPW)], sem).wait()

        def fire_write(kk):
            dst = pl.ds(pl.multiple_of((c0 + kk) * S_PAD + sid * TPW, 8), TPW)
            pltpu.async_copy(res_v.at[pl.ds(kk * TPW, TPW)],
                             out_hbm.at[dst], sem_w)

        stage(0, sem_s0)
        stage(1, sem_s1)

        def chan(kk, carry):
            even = lax.rem(kk, 2) == 0

            @pl.when(even)
            def _():
                wait_stage(sem_s0)

            @pl.when(jnp.logical_not(even))
            def _():
                wait_stage(sem_s1)

            plsc.subcore_barrier()

            @pl.when(even)
            def _():
                fire_gather(kk, sem_g0)

            @pl.when(jnp.logical_not(even))
            def _():
                fire_gather(kk, sem_g1)

            @pl.when(jnp.logical_and(kk >= 1, jnp.logical_not(even)))
            def _():
                wait_gather(sem_g0)

            @pl.when(jnp.logical_and(kk >= 1, even))
            def _():
                wait_gather(sem_g1)

            @pl.when(kk >= 1)
            def _():
                fire_write(kk - 1)

            plsc.subcore_barrier()

            @pl.when(jnp.logical_and(even, kk < CPC - 2))
            def _():
                stage(kk + 2, sem_s0)

            @pl.when(jnp.logical_and(jnp.logical_not(even), kk < CPC - 2))
            def _():
                stage(kk + 2, sem_s1)

            return carry

        lax.fori_loop(0, CPC, chan, 0)

        wait_gather(sem_g1)
        fire_write(CPC - 1)
        pltpu.make_async_copy(img_hbm.at[pl.ds(0, CPC * TPW)],
                              res_v, sem_w).wait()

    return k(img_flat_hbm, idxp_hbm)


def kernel(image_flat, idx):
    idx_i = idx.astype(jnp.int32)
    idxp = jnp.pad(idx_i, (0, S_PAD - NUM_SAMPLES))
    out_flat = _sc_gather(image_flat.reshape(-1), idxp)
    image_subset = out_flat.reshape(NUM_CHANNELS, S_PAD)[:, :NUM_SAMPLES]
    return (image_subset, idx)

# --- scband reference (transcript-rebuilt; emitter-appended) ---
"""Pipeline reference for scband-sample-random-subset-26242250178833 (READ-ONLY COPY).

The authoritative reference and input builder live on the scoring server;
editing this copy changes nothing except your own understanding.
"""

import jax, jax.numpy as jnp
import numpy as np

NUM_CHANNELS = 96
NUM_PIXELS = 512 * 512  # image [96, 512, 512] flattened from dim 1
NUM_SAMPLES = 26214


def setup_inputs(seed: int = 0) -> dict:
    key = jax.random.key(seed)
    k1, k2 = jax.random.split(key)
    image_flat = jax.random.normal(k1, (NUM_CHANNELS, NUM_PIXELS), dtype=jnp.float32)
    # The torch module draws idx = randperm(num_pixels)[:num_samples]. We model the
    # random subset selection with a random permutation prefix (equivalently, a
    # sample without replacement).
    idx = jax.random.permutation(k2, NUM_PIXELS)[:NUM_SAMPLES].astype(jnp.int64)
    return {"image_flat": image_flat, "idx": idx}


def reference(image_flat, idx):
    # image_subset = self.image_flat[:, idx]
    image_subset = jnp.take(image_flat, idx, axis=1)
    return (image_subset, idx)

if __name__ == "__main__":
    import jax
    _d = setup_inputs()
    print(jax.jit(kernel)(*tuple(_d.values())))

</pallas_src>

<mosaic_0001>
#map = affine_map<(d0, d1) -> (0)>
module attributes {stable_mosaic.version = 14 : i64} {
  func.func @k(%arg0: i32, %arg1: i32, %arg2: memref<25165824xf32, #tpu.memory_space<hbm>>, %arg3: memref<26240xi32, #tpu.memory_space<hbm>>, %arg4: memref<2519040xf32, #tpu.memory_space<hbm>>, %arg5: memref<1640xi32, #tpu.memory_space<vmem>>, %arg6: memref<78720xf32, #tpu.memory_space<vmem>>, %arg7: memref<786432xf32, #tpu.memory_space<vmem_shared>>, %arg8: memref<!tpu.dma_semaphore, #tpu.memory_space<semaphore_mem>>, %arg9: memref<!tpu.dma_semaphore, #tpu.memory_space<semaphore_mem>>, %arg10: memref<!tpu.dma_semaphore, #tpu.memory_space<semaphore_mem>>, %arg11: memref<!tpu.dma_semaphore, #tpu.memory_space<semaphore_mem>>, %arg12: memref<!tpu.dma_semaphore, #tpu.memory_space<semaphore_mem>>) attributes {dimension_semantics = [#tpu.dimension_semantics<core_parallel>, #tpu.dimension_semantics<subcore_parallel>], iteration_bounds = array<i64: 2, 16>, scalar_prefetch = 0 : i64, scratch_operands = 8 : i64, tpu.core_type = #tpu.core_type<sc_vector_subcore>, window_params = [{transform_indices = #map}, {transform_indices = #map}, {transform_indices = #map}]} {
    %mul3A = arith.constant 48 : i32
    %mul3A_0 = arith.muli %arg0, %mul3A : i32
    %mul3A_1 = arith.constant 1640 : i32
    %mul3A_2 = arith.muli %arg1, %mul3A_1 : i32
    "tpu.region"() ({
      %run_scoped3A = tpu.sem_alloc : memref<!tpu.dma_semaphore, #tpu.memory_space<semaphore_mem>>
      %dma_start3A_67 = tpu.memref_slice %arg3[%mul3A_2] : memref<26240xi32, #tpu.memory_space<hbm>> -> memref<1640xi32, #tpu.memory_space<hbm>>
      %dma_start3A_68 = tpu.memref_slice %arg3[%mul3A_2] : memref<26240xi32, #tpu.memory_space<hbm>> -> memref<1640xi32, #tpu.memory_space<hbm>>
      tpu.enqueue_dma source(%dma_start3A_68 : memref<1640xi32, #tpu.memory_space<hbm>>) target(%arg5 : memref<1640xi32, #tpu.memory_space<vmem>>) target_semaphore(%run_scoped3A : memref<!tpu.dma_semaphore, #tpu.memory_space<semaphore_mem>>)
      %dma_wait3A_69 = tpu.memref_slice %arg3[%mul3A_2] : memref<26240xi32, #tpu.memory_space<hbm>> -> memref<1640xi32, #tpu.memory_space<hbm>>
      %dma_wait3A_70 = tpu.memref_slice %arg3[%mul3A_2] : memref<26240xi32, #tpu.memory_space<hbm>> -> memref<1640xi32, #tpu.memory_space<hbm>>
      tpu.wait_dma2 semaphore(%run_scoped3A : memref<!tpu.dma_semaphore, #tpu.memory_space<semaphore_mem>>) src(%dma_wait3A_70 : memref<1640xi32, #tpu.memory_space<hbm>>) dst(%arg5 : memref<1640xi32, #tpu.memory_space<vmem>>)
      tpu.yield
    }) : () -> ()
    %rem3A = arith.constant 0 : i32
    %rem3A_3 = arith.constant 3 : i32
    %rem3A_4 = arith.remsi %rem3A, %rem3A_3 : i32
    %add3A = arith.constant 0 : i32
    %add3A_5 = arith.addi %mul3A_0, %add3A : i32
    %mul3A_6 = arith.constant 262144 : i32
    %mul3A_7 = arith.muli %add3A_5, %mul3A_6 : i32
    %mul3A_8 = arith.constant 16384 : i32
    %mul3A_9 = arith.muli %arg1, %mul3A_8 : i32
    %add3A_10 = arith.addi %mul3A_7, %mul3A_9 : i32
    %multiple_of3A = tpu.assume_multiple %add3A_10, 8 : i32
    %mul3A_11 = arith.constant 262144 : i32
    %mul3A_12 = arith.muli %rem3A_4, %mul3A_11 : i32
    %mul3A_13 = arith.constant 16384 : i32
    %mul3A_14 = arith.muli %arg1, %mul3A_13 : i32
    %add3A_15 = arith.addi %mul3A_12, %mul3A_14 : i32
    %multiple_of3A_16 = tpu.assume_multiple %add3A_15, 8 : i32
    %dma_start3A = tpu.memref_slice %arg7[%multiple_of3A_16] : memref<786432xf32, #tpu.memory_space<vmem_shared>> -> memref<16384xf32, #tpu.memory_space<vmem_shared>>
    %dma_start3A_17 = tpu.memref_slice %arg2[%multiple_of3A] : memref<25165824xf32, #tpu.memory_space<hbm>> -> memref<16384xf32, #tpu.memory_space<hbm>>
    tpu.enqueue_dma source(%dma_start3A_17 : memref<16384xf32, #tpu.memory_space<hbm>>) target(%dma_start3A : memref<16384xf32, #tpu.memory_space<vmem_shared>>) target_semaphore(%arg8 : memref<!tpu.dma_semaphore, #tpu.memory_space<semaphore_mem>>)
    %rem3A_18 = arith.constant 1 : i32
    %rem3A_19 = arith.constant 3 : i32
    %rem3A_20 = arith.remsi %rem3A_18, %rem3A_19 : i32
    %add3A_21 = arith.constant 1 : i32
    %add3A_22 = arith.addi %mul3A_0, %add3A_21 : i32
    %mul3A_23 = arith.constant 262144 : i32
    %mul3A_24 = arith.muli %add3A_22, %mul3A_23 : i32
    %mul3A_25 = arith.constant 16384 : i32
    %mul3A_26 = arith.muli %arg1, %mul3A_25 : i32
    %add3A_27 = arith.addi %mul3A_24, %mul3A_26 : i32
    %multiple_of3A_28 = tpu.assume_multiple %add3A_27, 8 : i32
    %mul3A_29 = arith.constant 262144 : i32
    %mul3A_30 = arith.muli %rem3A_20, %mul3A_29 : i32
    %mul3A_31 = arith.constant 16384 : i32
    %mul3A_32 = arith.muli %arg1, %mul3A_31 : i32
    %add3A_33 = arith.addi %mul3A_30, %mul3A_32 : i32
    %multiple_of3A_34 = tpu.assume_multiple %add3A_33, 8 : i32
    %dma_start3A_35 = tpu.memref_slice %arg7[%multiple_of3A_34] : memref<786432xf32, #tpu.memory_space<vmem_shared>> -> memref<16384xf32, #tpu.memory_space<vmem_shared>>
    %dma_start3A_36 = tpu.memref_slice %arg2[%multiple_of3A_28] : memref<25165824xf32, #tpu.memory_space<hbm>> -> memref<16384xf32, #tpu.memory_space<hbm>>
    tpu.enqueue_dma source(%dma_start3A_36 : memref<16384xf32, #tpu.memory_space<hbm>>) target(%dma_start3A_35 : memref<16384xf32, #tpu.memory_space<vmem_shared>>) target_semaphore(%arg9 : memref<!tpu.dma_semaphore, #tpu.memory_space<semaphore_mem>>)
    %scan3A = arith.constant 0 : i32
    %scan3A_37 = arith.constant 0 : i32
    %scan3A_38 = arith.constant 48 : i32
    %scan3A_39 = arith.addi %scan3A_37, %scan3A_38 : i32
    %scan3A_40 = arith.constant 1 : i32
    scf.for %scan3A_67 = %scan3A_37 to %scan3A_39 step %scan3A_40  : i32 {
      %rem3A_68 = arith.constant 2 : i32
      %rem3A_69 = arith.remsi %scan3A_67, %rem3A_68 : i32
      %eq3A = arith.constant 0 : i32
      %eq3A_70 = arith.cmpi eq, %rem3A_69, %eq3A : i32
      %convert_element_type3A = arith.extui %eq3A_70 : i1 to i32
      %cond3A = arith.constant 0 : i32
      %cond3A_71 = arith.cmpi ne, %convert_element_type3A, %cond3A : i32
      scf.if %cond3A_71 {
        %dma_wait3A_115 = arith.constant 0 : i32
        %dma_wait3A_116 = tpu.memref_slice %arg7[%dma_wait3A_115] : memref<786432xf32, #tpu.memory_space<vmem_shared>> -> memref<16384xf32, #tpu.memory_space<vmem_shared>>
        %dma_wait3A_117 = arith.constant 0 : i32
        %dma_wait3A_118 = tpu.memref_slice %arg2[%dma_wait3A_117] : memref<25165824xf32, #tpu.memory_space<hbm>> -> memref<16384xf32, #tpu.memory_space<hbm>>
        tpu.wait_dma2 semaphore(%arg8 : memref<!tpu.dma_semaphore, #tpu.memory_space<semaphore_mem>>) src(%dma_wait3A_118 : memref<16384xf32, #tpu.memory_space<hbm>>) dst(%dma_wait3A_116 : memref<16384xf32, #tpu.memory_space<vmem_shared>>)
      } else {
      }
      %not3A = arith.constant true
      %not3A_72 = arith.xori %eq3A_70, %not3A : i1
      %convert_element_type3A_73 = arith.extui %not3A_72 : i1 to i32
      %cond3A_74 = arith.constant 0 : i32
      %cond3A_75 = arith.cmpi ne, %convert_element_type3A_73, %cond3A_74 : i32
      scf.if %cond3A_75 {
        %dma_wait3A_115 = arith.constant 0 : i32
        %dma_wait3A_116 = tpu.memref_slice %arg7[%dma_wait3A_115] : memref<786432xf32, #tpu.memory_space<vmem_shared>> -> memref<16384xf32, #tpu.memory_space<vmem_shared>>
        %dma_wait3A_117 = arith.constant 0 : i32
        %dma_wait3A_118 = tpu.memref_slice %arg2[%dma_wait3A_117] : memref<25165824xf32, #tpu.memory_space<hbm>> -> memref<16384xf32, #tpu.memory_space<hbm>>
        tpu.wait_dma2 semaphore(%arg9 : memref<!tpu.dma_semaphore, #tpu.memory_space<semaphore_mem>>) src(%dma_wait3A_118 : memref<16384xf32, #tpu.memory_space<hbm>>) dst(%dma_wait3A_116 : memref<16384xf32, #tpu.memory_space<vmem_shared>>)
      } else {
      }
      %barrier3A = arith.constant 0 : index
      tpu.barrier barrier_id(%barrier3A)
      %convert_element_type3A_76 = arith.extui %eq3A_70 : i1 to i32
      %cond3A_77 = arith.constant 0 : i32
      %cond3A_78 = arith.cmpi ne, %convert_element_type3A_76, %cond3A_77 : i32
      scf.if %cond3A_78 {
        %rem3A_115 = arith.constant 3 : i32
        %rem3A_116 = arith.remsi %scan3A_67, %rem3A_115 : i32
        %mul3A_117 = arith.constant 262144 : i32
        %mul3A_118 = arith.muli %rem3A_116, %mul3A_117 : i32
        %multiple_of3A_119 = tpu.assume_multiple %mul3A_118, 8 : i32
        %mul3A_120 = arith.constant 1640 : i32
        %mul3A_121 = arith.muli %scan3A_67, %mul3A_120 : i32
        %add3A_122 = arith.constant 0 : i32
        %add3A_123 = arith.addi %mul3A_121, %add3A_122 : i32
        %dma_start3A_124 = tpu.memref_slice %arg6[%add3A_123] : memref<78720xf32, #tpu.memory_space<vmem>> -> memref<416xf32, #tpu.memory_space<vmem>>
        %dma_start3A_125 = arith.constant 0 : i32
        %dma_start3A_126 = tpu.memref_slice %arg5[%dma_start3A_125] : memref<1640xi32, #tpu.memory_space<vmem>> -> memref<416xi32, #tpu.memory_space<vmem>>
        %dma_start3A_127 = tpu.memref_slice %arg7[%multiple_of3A_119] : memref<786432xf32, #tpu.memory_space<vmem_shared>> -> memref<262144xf32, #tpu.memory_space<vmem_shared>>
        %dma_start3A_128 = arith.constant 0 : i32
        %dma_start3A_129 = tpu.memref_slice %dma_start3A_127[%dma_start3A_128] : memref<262144xf32, #tpu.memory_space<vmem_shared>> -> memref<262144xf32, #tpu.memory_space<vmem_shared>>
        tpu.enqueue_indirect_dma source(%dma_start3A_129 : memref<262144xf32, #tpu.memory_space<vmem_shared>>) target(%dma_start3A_124 : memref<416xf32, #tpu.memory_space<vmem>>) offsets(%dma_start3A_126 : memref<416xi32, #tpu.memory_space<vmem>>) semaphore(%arg10 : memref<!tpu.dma_semaphore, #tpu.memory_space<semaphore_mem>>)
        %mul3A_130 = arith.constant 1640 : i32
        %mul3A_131 = arith.muli %scan3A_67, %mul3A_130 : i32
        %add3A_132 = arith.constant 416 : i32
        %add3A_133 = arith.addi %mul3A_131, %add3A_132 : i32
        %dma_start3A_134 = tpu.memref_slice %arg6[%add3A_133] : memref<78720xf32, #tpu.memory_space<vmem>> -> memref<408xf32, #tpu.memory_space<vmem>>
        %dma_start3A_135 = arith.constant 416 : i32
        %dma_start3A_136 = tpu.memref_slice %arg5[%dma_start3A_135] : memref<1640xi32, #tpu.memory_space<vmem>> -> memref<408xi32, #tpu.memory_space<vmem>>
        %dma_start3A_137 = tpu.memref_slice %arg7[%multiple_of3A_119] : memref<786432xf32, #tpu.memory_space<vmem_shared>> -> memref<262144xf32, #tpu.memory_space<vmem_shared>>
        %dma_start3A_138 = arith.constant 0 : i32
        %dma_start3A_139 = tpu.memref_slice %dma_start3A_137[%dma_start3A_138] : memref<262144xf32, #tpu.memory_space<vmem_shared>> -> memref<262144xf32, #tpu.memory_space<vmem_shared>>
        tpu.enqueue_indirect_dma source(%dma_start3A_139 : memref<262144xf32, #tpu.memory_space<vmem_shared>>) target(%dma_start3A_134 : memref<408xf32, #tpu.memory_space<vmem>>) offsets(%dma_start3A_136 : memref<408xi32, #tpu.memory_space<vmem>>) semaphore(%arg10 : memref<!tpu.dma_semaphore, #tpu.memory_space<semaphore_mem>>)
        %mul3A_140 = arith.constant 1640 : i32
        %mul3A_141 = arith.muli %scan3A_67, %mul3A_140 : i32
        %add3A_142 = arith.constant 824 : i32
        %add3A_143 = arith.addi %mul3A_141, %add3A_142 : i32
        %dma_start3A_144 = tpu.memref_slice %arg6[%add3A_143] : memref<78720xf32, #tpu.memory_space<vmem>> -> memref<408xf32, #tpu.memory_space<vmem>>
        %dma_start3A_145 = arith.constant 824 : i32
        %dma_start3A_146 = tpu.memref_slice %arg5[%dma_start3A_145] : memref<1640xi32, #tpu.memory_space<vmem>> -> memref<408xi32, #tpu.memory_space<vmem>>
        %dma_start3A_147 = tpu.memref_slice %arg7[%multiple_of3A_119] : memref<786432xf32, #tpu.memory_space<vmem_shared>> -> memref<262144xf32, #tpu.memory_space<vmem_shared>>
        %dma_start3A_148 = arith.constant 0 : i32
        %dma_start3A_149 = tpu.memref_slice %dma_start3A_147[%dma_start3A_148] : memref<262144xf32, #tpu.memory_space<vmem_shared>> -> memref<262144xf32, #tpu.memory_space<vmem_shared>>
        tpu.enqueue_indirect_dma source(%dma_start3A_149 : memref<262144xf32, #tpu.memory_space<vmem_shared>>) target(%dma_start3A_144 : memref<408xf32, #tpu.memory_space<vmem>>) offsets(%dma_start3A_146 : memref<408xi32, #tpu.memory_space<vmem>>) semaphore(%arg10 : memref<!tpu.dma_semaphore, #tpu.memory_space<semaphore_mem>>)
        %mul3A_150 = arith.constant 1640 : i32
        %mul3A_151 = arith.muli %scan3A_67, %mul3A_150 : i32
        %add3A_152 = arith.constant 1232 : i32
        %add3A_153 = arith.addi %mul3A_151, %add3A_152 : i32
        %dma_start3A_154 = tpu.memref_slice %arg6[%add3A_153] : memref<78720xf32, #tpu.memory_space<vmem>> -> memref<408xf32, #tpu.memory_space<vmem>>
        %dma_start3A_155 = arith.constant 1232 : i32
        %dma_start3A_156 = tpu.memref_slice %arg5[%dma_start3A_155] : memref<1640xi32, #tpu.memory_space<vmem>> -> memref<408xi32, #tpu.memory_space<vmem>>
        %dma_start3A_157 = tpu.memref_slice %arg7[%multiple_of3A_119] : memref<786432xf32, #tpu.memory_space<vmem_shared>> -> memref<262144xf32, #tpu.memory_space<vmem_shared>>
        %dma_start3A_158 = arith.constant 0 : i32
        %dma_start3A_159 = tpu.memref_slice %dma_start3A_157[%dma_start3A_158] : memref<262144xf32, #tpu.memory_space<vmem_shared>> -> memref<262144xf32, #tpu.memory_space<vmem_shared>>
        tpu.enqueue_indirect_dma source(%dma_start3A_159 : memref<262144xf32, #tpu.memory_space<vmem_shared>>) target(%dma_start3A_154 : memref<408xf32, #tpu.memory_space<vmem>>) offsets(%dma_start3A_156 : memref<408xi32, #tpu.memory_space<vmem>>) semaphore(%arg10 : memref<!tpu.dma_semaphore, #tpu.memory_space<semaphore_mem>>)
      } else {
      }
      %not3A_79 = arith.constant true
      %not3A_80 = arith.xori %eq3A_70, %not3A_79 : i1
      %convert_element_type3A_81 = arith.extui %not3A_80 : i1 to i32
      %cond3A_82 = arith.constant 0 : i32
      %cond3A_83 = arith.cmpi ne, %convert_element_type3A_81, %cond3A_82 : i32
      scf.if %cond3A_83 {
        %rem3A_115 = arith.constant 3 : i32
        %rem3A_116 = arith.remsi %scan3A_67, %rem3A_115 : i32
        %mul3A_117 = arith.constant 262144 : i32
        %mul3A_118 = arith.muli %rem3A_116, %mul3A_117 : i32
        %multiple_of3A_119 = tpu.assume_multiple %mul3A_118, 8 : i32
        %mul3A_120 = arith.constant 1640 : i32
        %mul3A_121 = arith.muli %scan3A_67, %mul3A_120 : i32
        %add3A_122 = arith.constant 0 : i32
        %add3A_123 = arith.addi %mul3A_121, %add3A_122 : i32
        %dma_start3A_124 = tpu.memref_slice %arg6[%add3A_123] : memref<78720xf32, #tpu.memory_space<vmem>> -> memref<416xf32, #tpu.memory_space<vmem>>
        %dma_start3A_125 = arith.constant 0 : i32
        %dma_start3A_126 = tpu.memref_slice %arg5[%dma_start3A_125] : memref<1640xi32, #tpu.memory_space<vmem>> -> memref<416xi32, #tpu.memory_space<vmem>>
        %dma_start3A_127 = tpu.memref_slice %arg7[%multiple_of3A_119] : memref<786432xf32, #tpu.memory_space<vmem_shared>> -> memref<262144xf32, #tpu.memory_space<vmem_shared>>
        %dma_start3A_128 = arith.constant 0 : i32
        %dma_start3A_129 = tpu.memref_slice %dma_start3A_127[%dma_start3A_128] : memref<262144xf32, #tpu.memory_space<vmem_shared>> -> memref<262144xf32, #tpu.memory_space<vmem_shared>>
        tpu.enqueue_indirect_dma source(%dma_start3A_129 : memref<262144xf32, #tpu.memory_space<vmem_shared>>) target(%dma_start3A_124 : memref<416xf32, #tpu.memory_space<vmem>>) offsets(%dma_start3A_126 : memref<416xi32, #tpu.memory_space<vmem>>) semaphore(%arg11 : memref<!tpu.dma_semaphore, #tpu.memory_space<semaphore_mem>>)
        %mul3A_130 = arith.constant 1640 : i32
        %mul3A_131 = arith.muli %scan3A_67, %mul3A_130 : i32
        %add3A_132 = arith.constant 416 : i32
        %add3A_133 = arith.addi %mul3A_131, %add3A_132 : i32
        %dma_start3A_134 = tpu.memref_slice %arg6[%add3A_133] : memref<78720xf32, #tpu.memory_space<vmem>> -> memref<408xf32, #tpu.memory_space<vmem>>
        %dma_start3A_135 = arith.constant 416 : i32
        %dma_start3A_136 = tpu.memref_slice %arg5[%dma_start3A_135] : memref<1640xi32, #tpu.memory_space<vmem>> -> memref<408xi32, #tpu.memory_space<vmem>>
        %dma_start3A_137 = tpu.memref_slice %arg7[%multiple_of3A_119] : memref<786432xf32, #tpu.memory_space<vmem_shared>> -> memref<262144xf32, #tpu.memory_space<vmem_shared>>
        %dma_start3A_138 = arith.constant 0 : i32
        %dma_start3A_139 = tpu.memref_slice %dma_start3A_137[%dma_start3A_138] : memref<262144xf32, #tpu.memory_space<vmem_shared>> -> memref<262144xf32, #tpu.memory_space<vmem_shared>>
        tpu.enqueue_indirect_dma source(%dma_start3A_139 : memref<262144xf32, #tpu.memory_space<vmem_shared>>) target(%dma_start3A_134 : memref<408xf32, #tpu.memory_space<vmem>>) offsets(%dma_start3A_136 : memref<408xi32, #tpu.memory_space<vmem>>) semaphore(%arg11 : memref<!tpu.dma_semaphore, #tpu.memory_space<semaphore_mem>>)
        %mul3A_140 = arith.constant 1640 : i32
        %mul3A_141 = arith.muli %scan3A_67, %mul3A_140 : i32
        %add3A_142 = arith.constant 824 : i32
        %add3A_143 = arith.addi %mul3A_141, %add3A_142 : i32
        %dma_start3A_144 = tpu.memref_slice %arg6[%add3A_143] : memref<78720xf32, #tpu.memory_space<vmem>> -> memref<408xf32, #tpu.memory_space<vmem>>
        %dma_start3A_145 = arith.constant 824 : i32
        %dma_start3A_146 = tpu.memref_slice %arg5[%dma_start3A_145] : memref<1640xi32, #tpu.memory_space<vmem>> -> memref<408xi32, #tpu.memory_space<vmem>>
        %dma_start3A_147 = tpu.memref_slice %arg7[%multiple_of3A_119] : memref<786432xf32, #tpu.memory_space<vmem_shared>> -> memref<262144xf32, #tpu.memory_space<vmem_shared>>
        %dma_start3A_148 = arith.constant 0 : i32
        %dma_start3A_149 = tpu.memref_slice %dma_start3A_147[%dma_start3A_148] : memref<262144xf32, #tpu.memory_space<vmem_shared>> -> memref<262144xf32, #tpu.memory_space<vmem_shared>>
        tpu.enqueue_indirect_dma source(%dma_start3A_149 : memref<262144xf32, #tpu.memory_space<vmem_shared>>) target(%dma_start3A_144 : memref<408xf32, #tpu.memory_space<vmem>>) offsets(%dma_start3A_146 : memref<408xi32, #tpu.memory_space<vmem>>) semaphore(%arg11 : memref<!tpu.dma_semaphore, #tpu.memory_space<semaphore_mem>>)
        %mul3A_150 = arith.constant 1640 : i32
        %mul3A_151 = arith.muli %scan3A_67, %mul3A_150 : i32
        %add3A_152 = arith.constant 1232 : i32
        %add3A_153 = arith.addi %mul3A_151, %add3A_152 : i32
        %dma_start3A_154 = tpu.memref_slice %arg6[%add3A_153] : memref<78720xf32, #tpu.memory_space<vmem>> -> memref<408xf32, #tpu.memory_space<vmem>>
        %dma_start3A_155 = arith.constant 1232 : i32
        %dma_start3A_156 = tpu.memref_slice %arg5[%dma_start3A_155] : memref<1640xi32, #tpu.memory_space<vmem>> -> memref<408xi32, #tpu.memory_space<vmem>>
        %dma_start3A_157 = tpu.memref_slice %arg7[%multiple_of3A_119] : memref<786432xf32, #tpu.memory_space<vmem_shared>> -> memref<262144xf32, #tpu.memory_space<vmem_shared>>
        %dma_start3A_158 = arith.constant 0 : i32
        %dma_start3A_159 = tpu.memref_slice %dma_start3A_157[%dma_start3A_158] : memref<262144xf32, #tpu.memory_space<vmem_shared>> -> memref<262144xf32, #tpu.memory_space<vmem_shared>>
        tpu.enqueue_indirect_dma source(%dma_start3A_159 : memref<262144xf32, #tpu.memory_space<vmem_shared>>) target(%dma_start3A_154 : memref<408xf32, #tpu.memory_space<vmem>>) offsets(%dma_start3A_156 : memref<408xi32, #tpu.memory_space<vmem>>) semaphore(%arg11 : memref<!tpu.dma_semaphore, #tpu.memory_space<semaphore_mem>>)
      } else {
      }
      %ge3A = arith.constant 1 : i32
      %ge3A_84 = arith.cmpi sge, %scan3A_67, %ge3A : i32
      %not3A_85 = arith.constant true
      %not3A_86 = arith.xori %eq3A_70, %not3A_85 : i1
      %and3A = arith.andi %ge3A_84, %not3A_86 : i1
      %convert_element_type3A_87 = arith.extui %and3A : i1 to i32
      %cond3A_88 = arith.constant 0 : i32
      %cond3A_89 = arith.cmpi ne, %convert_element_type3A_87, %cond3A_88 : i32
      scf.if %cond3A_89 {
        %dma_wait3A_115 = arith.constant 0 : i32
        %dma_wait3A_116 = tpu.memref_slice %arg6[%dma_wait3A_115] : memref<78720xf32, #tpu.memory_space<vmem>> -> memref<1640xf32, #tpu.memory_space<vmem>>
        %dma_wait3A_117 = arith.constant 0 : i32
        %dma_wait3A_118 = tpu.memref_slice %arg2[%dma_wait3A_117] : memref<25165824xf32, #tpu.memory_space<hbm>> -> memref<1640xf32, #tpu.memory_space<hbm>>
        %dma_wait3A_119 = arith.constant 0 : i32
        %dma_wait3A_120 = tpu.memref_slice %arg6[%dma_wait3A_119] : memref<78720xf32, #tpu.memory_space<vmem>> -> memref<1640xf32, #tpu.memory_space<vmem>>
        %dma_wait3A_121 = arith.constant 0 : i32
        %dma_wait3A_122 = tpu.memref_slice %arg2[%dma_wait3A_121] : memref<25165824xf32, #tpu.memory_space<hbm>> -> memref<1640xf32, #tpu.memory_space<hbm>>
        tpu.wait_dma2 semaphore(%arg10 : memref<!tpu.dma_semaphore, #tpu.memory_space<semaphore_mem>>) src(%dma_wait3A_122 : memref<1640xf32, #tpu.memory_space<hbm>>) dst(%dma_wait3A_120 : memref<1640xf32, #tpu.memory_space<vmem>>)
      } else {
      }
      %ge3A_90 = arith.constant 1 : i32
      %ge3A_91 = arith.cmpi sge, %scan3A_67, %ge3A_90 : i32
      %and3A_92 = arith.andi %ge3A_91, %eq3A_70 : i1
      %convert_element_type3A_93 = arith.extui %and3A_92 : i1 to i32
      %cond3A_94 = arith.constant 0 : i32
      %cond3A_95 = arith.cmpi ne, %convert_element_type3A_93, %cond3A_94 : i32
      scf.if %cond3A_95 {
        %dma_wait3A_115 = arith.constant 0 : i32
        %dma_wait3A_116 = tpu.memref_slice %arg6[%dma_wait3A_115] : memref<78720xf32, #tpu.memory_space<vmem>> -> memref<1640xf32, #tpu.memory_space<vmem>>
        %dma_wait3A_117 = arith.constant 0 : i32
        %dma_wait3A_118 = tpu.memref_slice %arg2[%dma_wait3A_117] : memref<25165824xf32, #tpu.memory_space<hbm>> -> memref<1640xf32, #tpu.memory_space<hbm>>
        %dma_wait3A_119 = arith.constant 0 : i32
        %dma_wait3A_120 = tpu.memref_slice %arg6[%dma_wait3A_119] : memref<78720xf32, #tpu.memory_space<vmem>> -> memref<1640xf32, #tpu.memory_space<vmem>>
        %dma_wait3A_121 = arith.constant 0 : i32
        %dma_wait3A_122 = tpu.memref_slice %arg2[%dma_wait3A_121] : memref<25165824xf32, #tpu.memory_space<hbm>> -> memref<1640xf32, #tpu.memory_space<hbm>>
        tpu.wait_dma2 semaphore(%arg11 : memref<!tpu.dma_semaphore, #tpu.memory_space<semaphore_mem>>) src(%dma_wait3A_122 : memref<1640xf32, #tpu.memory_space<hbm>>) dst(%dma_wait3A_120 : memref<1640xf32, #tpu.memory_space<vmem>>)
      } else {
      }
      %ge3A_96 = arith.constant 1 : i32
      %ge3A_97 = arith.cmpi sge, %scan3A_67, %ge3A_96 : i32
      %convert_element_type3A_98 = arith.extui %ge3A_97 : i1 to i32
      %cond3A_99 = arith.constant 0 : i32
      %cond3A_100 = arith.cmpi ne, %convert_element_type3A_98, %cond3A_99 : i32
      scf.if %cond3A_100 {
        %sub3A = arith.constant 1 : i32
        %sub3A_115 = arith.subi %scan3A_67, %sub3A : i32
        %add3A_116 = arith.addi %mul3A_0, %sub3A_115 : i32
        %mul3A_117 = arith.constant 26240 : i32
        %mul3A_118 = arith.muli %add3A_116, %mul3A_117 : i32
        %mul3A_119 = arith.constant 1640 : i32
        %mul3A_120 = arith.muli %arg1, %mul3A_119 : i32
        %add3A_121 = arith.addi %mul3A_118, %mul3A_120 : i32
        %multiple_of3A_122 = tpu.assume_multiple %add3A_121, 8 : i32
        %mul3A_123 = arith.constant 1640 : i32
        %mul3A_124 = arith.muli %sub3A_115, %mul3A_123 : i32
        %dma_start3A_125 = tpu.memref_slice %arg6[%mul3A_124] : memref<78720xf32, #tpu.memory_space<vmem>> -> memref<1640xf32, #tpu.memory_space<vmem>>
        %dma_start3A_126 = tpu.memref_slice %arg4[%multiple_of3A_122] : memref<2519040xf32, #tpu.memory_space<hbm>> -> memref<1640xf32, #tpu.memory_space<hbm>>
        %dma_start3A_127 = tpu.memref_slice %arg4[%multiple_of3A_122] : memref<2519040xf32, #tpu.memory_space<hbm>> -> memref<1640xf32, #tpu.memory_space<hbm>>
        %dma_start3A_128 = tpu.memref_slice %arg6[%mul3A_124] : memref<78720xf32, #tpu.memory_space<vmem>> -> memref<1640xf32, #tpu.memory_space<vmem>>
        tpu.enqueue_dma source(%dma_start3A_128 : memref<1640xf32, #tpu.memory_space<vmem>>) target(%dma_start3A_127 : memref<1640xf32, #tpu.memory_space<hbm>>) target_semaphore(%arg12 : memref<!tpu.dma_semaphore, #tpu.memory_space<semaphore_mem>>)
      } else {
      }
      %barrier3A_101 = arith.constant 0 : index
      tpu.barrier barrier_id(%barrier3A_101)
      %lt3A = arith.constant 46 : i32
      %lt3A_102 = arith.cmpi slt, %scan3A_67, %lt3A : i32
      %and3A_103 = arith.andi %eq3A_70, %lt3A_102 : i1
      %convert_element_type3A_104 = arith.extui %and3A_103 : i1 to i32
      %cond3A_105 = arith.constant 0 : i32
      %cond3A_106 = arith.cmpi ne, %convert_element_type3A_104, %cond3A_105 : i32
      scf.if %cond3A_106 {
        %add3A_115 = arith.constant 2 : i32
        %add3A_116 = arith.addi %scan3A_67, %add3A_115 : i32
        %rem3A_117 = arith.constant 3 : i32
        %rem3A_118 = arith.remsi %add3A_116, %rem3A_117 : i32
        %add3A_119 = arith.addi %mul3A_0, %add3A_116 : i32
        %mul3A_120 = arith.constant 262144 : i32
        %mul3A_121 = arith.muli %add3A_119, %mul3A_120 : i32
        %mul3A_122 = arith.constant 16384 : i32
        %mul3A_123 = arith.muli %arg1, %mul3A_122 : i32
        %add3A_124 = arith.addi %mul3A_121, %mul3A_123 : i32
        %multiple_of3A_125 = tpu.assume_multiple %add3A_124, 8 : i32
        %mul3A_126 = arith.constant 262144 : i32
        %mul3A_127 = arith.muli %rem3A_118, %mul3A_126 : i32
        %mul3A_128 = arith.constant 16384 : i32
        %mul3A_129 = arith.muli %arg1, %mul3A_128 : i32
        %add3A_130 = arith.addi %mul3A_127, %mul3A_129 : i32
        %multiple_of3A_131 = tpu.assume_multiple %add3A_130, 8 : i32
        %dma_start3A_132 = tpu.memref_slice %arg7[%multiple_of3A_131] : memref<786432xf32, #tpu.memory_space<vmem_shared>> -> memref<16384xf32, #tpu.memory_space<vmem_shared>>
        %dma_start3A_133 = tpu.memref_slice %arg2[%multiple_of3A_125] : memref<25165824xf32, #tpu.memory_space<hbm>> -> memref<16384xf32, #tpu.memory_space<hbm>>
        tpu.enqueue_dma source(%dma_start3A_133 : memref<16384xf32, #tpu.memory_space<hbm>>) target(%dma_start3A_132 : memref<16384xf32, #tpu.memory_space<vmem_shared>>) target_semaphore(%arg8 : memref<!tpu.dma_semaphore, #tpu.memory_space<semaphore_mem>>)
      } else {
      }
      %not3A_107 = arith.constant true
      %not3A_108 = arith.xori %eq3A_70, %not3A_107 : i1
      %lt3A_109 = arith.constant 46 : i32
      %lt3A_110 = arith.cmpi slt, %scan3A_67, %lt3A_109 : i32
      %and3A_111 = arith.andi %not3A_108, %lt3A_110 : i1
      %convert_element_type3A_112 = arith.extui %and3A_111 : i1 to i32
      %cond3A_113 = arith.constant 0 : i32
      %cond3A_114 = arith.cmpi ne, %convert_element_type3A_112, %cond3A_113 : i32
      scf.if %cond3A_114 {
        %add3A_115 = arith.constant 2 : i32
        %add3A_116 = arith.addi %scan3A_67, %add3A_115 : i32
        %rem3A_117 = arith.constant 3 : i32
        %rem3A_118 = arith.remsi %add3A_116, %rem3A_117 : i32
        %add3A_119 = arith.addi %mul3A_0, %add3A_116 : i32
        %mul3A_120 = arith.constant 262144 : i32
        %mul3A_121 = arith.muli %add3A_119, %mul3A_120 : i32
        %mul3A_122 = arith.constant 16384 : i32
        %mul3A_123 = arith.muli %arg1, %mul3A_122 : i32
        %add3A_124 = arith.addi %mul3A_121, %mul3A_123 : i32
        %multiple_of3A_125 = tpu.assume_multiple %add3A_124, 8 : i32
        %mul3A_126 = arith.constant 262144 : i32
        %mul3A_127 = arith.muli %rem3A_118, %mul3A_126 : i32
        %mul3A_128 = arith.constant 16384 : i32
        %mul3A_129 = arith.muli %arg1, %mul3A_128 : i32
        %add3A_130 = arith.addi %mul3A_127, %mul3A_129 : i32
        %multiple_of3A_131 = tpu.assume_multiple %add3A_130, 8 : i32
        %dma_start3A_132 = tpu.memref_slice %arg7[%multiple_of3A_131] : memref<786432xf32, #tpu.memory_space<vmem_shared>> -> memref<16384xf32, #tpu.memory_space<vmem_shared>>
        %dma_start3A_133 = tpu.memref_slice %arg2[%multiple_of3A_125] : memref<25165824xf32, #tpu.memory_space<hbm>> -> memref<16384xf32, #tpu.memory_space<hbm>>
        tpu.enqueue_dma source(%dma_start3A_133 : memref<16384xf32, #tpu.memory_space<hbm>>) target(%dma_start3A_132 : memref<16384xf32, #tpu.memory_space<vmem_shared>>) target_semaphore(%arg9 : memref<!tpu.dma_semaphore, #tpu.memory_space<semaphore_mem>>)
      } else {
      }
    }
    %scan3A_41 = arith.constant 48 : i32
    %dma_wait3A = arith.constant 0 : i32
    %dma_wait3A_42 = tpu.memref_slice %arg6[%dma_wait3A] : memref<78720xf32, #tpu.memory_space<vmem>> -> memref<1640xf32, #tpu.memory_space<vmem>>
    %dma_wait3A_43 = arith.constant 0 : i32
    %dma_wait3A_44 = tpu.memref_slice %arg2[%dma_wait3A_43] : memref<25165824xf32, #tpu.memory_space<hbm>> -> memref<1640xf32, #tpu.memory_space<hbm>>
    %dma_wait3A_45 = arith.constant 0 : i32
    %dma_wait3A_46 = tpu.memref_slice %arg6[%dma_wait3A_45] : memref<78720xf32, #tpu.memory_space<vmem>> -> memref<1640xf32, #tpu.memory_space<vmem>>
    %dma_wait3A_47 = arith.constant 0 : i32
    %dma_wait3A_48 = tpu.memref_slice %arg2[%dma_wait3A_47] : memref<25165824xf32, #tpu.memory_space<hbm>> -> memref<1640xf32, #tpu.memory_space<hbm>>
    tpu.wait_dma2 semaphore(%arg11 : memref<!tpu.dma_semaphore, #tpu.memory_space<semaphore_mem>>) src(%dma_wait3A_48 : memref<1640xf32, #tpu.memory_space<hbm>>) dst(%dma_wait3A_46 : memref<1640xf32, #tpu.memory_space<vmem>>)
    %add3A_49 = arith.constant 47 : i32
    %add3A_50 = arith.addi %mul3A_0, %add3A_49 : i32
    %mul3A_51 = arith.constant 26240 : i32
    %mul3A_52 = arith.muli %add3A_50, %mul3A_51 : i32
    %mul3A_53 = arith.constant 1640 : i32
    %mul3A_54 = arith.muli %arg1, %mul3A_53 : i32
    %add3A_55 = arith.addi %mul3A_52, %mul3A_54 : i32
    %multiple_of3A_56 = tpu.assume_multiple %add3A_55, 8 : i32
    %dma_start3A_57 = arith.constant 77080 : i32
    %dma_start3A_58 = tpu.memref_slice %arg6[%dma_start3A_57] : memref<78720xf32, #tpu.memory_space<vmem>> -> memref<1640xf32, #tpu.memory_space<vmem>>
    %dma_start3A_59 = tpu.memref_slice %arg4[%multiple_of3A_56] : memref<2519040xf32, #tpu.memory_space<hbm>> -> memref<1640xf32, #tpu.memory_space<hbm>>
    %dma_start3A_60 = tpu.memref_slice %arg4[%multiple_of3A_56] : memref<2519040xf32, #tpu.memory_space<hbm>> -> memref<1640xf32, #tpu.memory_space<hbm>>
    %dma_start3A_61 = arith.constant 77080 : i32
    %dma_start3A_62 = tpu.memref_slice %arg6[%dma_start3A_61] : memref<78720xf32, #tpu.memory_space<vmem>> -> memref<1640xf32, #tpu.memory_space<vmem>>
    tpu.enqueue_dma source(%dma_start3A_62 : memref<1640xf32, #tpu.memory_space<vmem>>) target(%dma_start3A_60 : memref<1640xf32, #tpu.memory_space<hbm>>) target_semaphore(%arg12 : memref<!tpu.dma_semaphore, #tpu.memory_space<semaphore_mem>>)
    %dma_wait3A_63 = arith.constant 0 : i32
    %dma_wait3A_64 = tpu.memref_slice %arg2[%dma_wait3A_63] : memref<25165824xf32, #tpu.memory_space<hbm>> -> memref<78720xf32, #tpu.memory_space<hbm>>
    %dma_wait3A_65 = arith.constant 0 : i32
    %dma_wait3A_66 = tpu.memref_slice %arg2[%dma_wait3A_65] : memref<25165824xf32, #tpu.memory_space<hbm>> -> memref<78720xf32, #tpu.memory_space<hbm>>
    tpu.wait_dma2 semaphore(%arg12 : memref<!tpu.dma_semaphore, #tpu.memory_space<semaphore_mem>>) src(%dma_wait3A_66 : memref<78720xf32, #tpu.memory_space<hbm>>) dst(%arg6 : memref<78720xf32, #tpu.memory_space<vmem>>)
    return
  }
}

</mosaic_0001>

<sc_bundles>
// kernel: kernel.3.cloned.1.call-start
scs
__scs_entry_jumppad:
0x0: {  	(pc) =	sbr.rel $0x88, $3  }
0x1: {  	(tag) =	ssettag $0x0;
	lr =	simm.s32 $0x1  }
0x2: {  	[smem:$0x3F9F] =	sst lr;
	_ =	strace $0xD0000000  }
0x3: {  	_ = 	snop  }
0x4: {  	_ = 	snop  }
0x5: {  	_ = 	snop  }
0x6: {  	_ = 	snop  }
0x7: {  	_ = 	snop  }
__scs_overlays_trampoline_lowered:
0x8: {  	[smem:$0x3FAE] =	sst s0  }
0x9: {  	[smem:$0x3FAF] =	sst s1  }
0xa: {  	[smem:$0x3FB0] =	sst s2  }
0xb: {  	[smem:$0x3FB1] =	sst s3  }
0xc: {  	[smem:$0x3FB2] =	sst s4  }
0xd: {  	[smem:$0x3FB3] =	sst s5  }
0xe: {  	[smem:$0x3FB4] =	sst s6  }
0xf: {  	[smem:$0x3FB5] =	sst s7  }
0x10: {  	[smem:$0x3FB6] =	sst s8  }
0x11: {  	[smem:$0x3FB7] =	sst s9;
	s0 =	simm.s32 @!p0 $0x0  }
0x12: {  	s1 =	sld [smem:$0x3F9D];
	s0 =	simm.s32 @p0 $0x1  }
0x13: {  	[smem:$0x3FB8] =	sst s0;
	s0 =	simm.s32 @!p1 $0x0  }
0x14: {  	s2 =	sld [smem:$0x3F9C];
	s0 =	simm.s32 @p1 $0x1  }
0x15: {  	[smem:$0x3FB9] =	sst s0;
	s0 =	simm.s32 @!p2 $0x0  }
0x16: {  	s3 =	sld [smem:$0x3FDB];
	s0 =	simm.s32 @p2 $0x1  }
0x17: {  	s4 =	simm.s32 $0x1BF5;
	[smem:$0x3FBB] =	sst s0  }
0x18: {  	s0 =	sld [smem:$0x3F9E];
	_ =	swait.ge [sflag:s4], $0x0  }
0x19: {  	s7 =	sld [smem:$0x3F9F]  }
0x1a: {  	s8 =	sadd.s32 $0xFFFFE003, lr  }
0x1b: {  	s9 =	sadd.s32 $0xFFFFFEF7, lr;
	s5 =	simm.s32 $0xFFFFFFFF;
	p2 =	slt.u32 s8, $0xFFFFF086  }
0x1c: {  	p1 =	slt.u32 s9, $0xF7A;
	s5 =	simm.s32 @!p2 $0x0  }
0x1d: {  	s5 =	simm.s32 @p1 $0x1;
	p0 =	seq.s32 s7, s2  }
0x1e: {  	s7 =	smul.u32 @!p0 $0xF7A, s2;
	p2 =	seq.s32 @!p0 s5, $0x0  }
0x1f: {  	s9 =	smul.u32 $0xF7A, s1;
	s8 =	simm.s32 @!p0 $0x1BF5;
	p2 =	por !p2, p0  }
0x20: {  	[sflag:s8] =	ssyncset.s32 @!p0 $0xFFFFF086;
	s6 =	sadd.s32 @!p0 s3, s7;
	s7 =	simm.s32 @!p0 $0x108  }
0x21: {  	s3 =	sadd.s32 s3, s9;
	s6 =	sadd.s32 @!p0 $0x88, s6;
	s7 =	simm.s32 @p2 $0x1082  }
0x22: {  	[simem:s7], [sflag:s8] =	dma.local @!p0 [hbm:s6], $0xF7A  }
0x23: {  	s9 =	sor.u32 $0xD0000000, s2;
	s6 =	simm.s32 $0x108;
	_ =	swait.ge @!p0 [sflag:s8], $0x0  }
0x24: {  	s3 =	sadd.s32 $0x88, s3;
	s6 =	simm.s32 @!p1 $0x1082;
	[sflag:s4] =	ssyncset.s32 $0xFFFFF086  }
0x25: {  	[simem:s6], [sflag:s4] =	dma.local [hbm:s3], $0xF7A  }
0x26: {  	[smem:$0x3F9F] =	sst s1;
	(tag) =	ssettag s2;
	_ =	strace s9  }
0x27: {  	s1 =	sld [smem:$0x3FAF]  }
0x28: {  	s2 =	sld [smem:$0x3FB0]  }
0x29: {  	s4 =	sld [smem:$0x3FB2]  }
0x2a: {  	p0 =	seq.s32 s5, $0x0;
	s5 =	sld [smem:$0x3FB3]  }
0x2b: {  	s6 =	sld [smem:$0x3FB4]  }
0x2c: {  	s7 =	sld [smem:$0x3FB5]  }
0x2d: {  	s3 =	simm.s32 $0x108;
	s8 =	sld [smem:$0x3FB6]  }
0x2e: {  	s3 =	simm.s32 @!p0 $0x1082;
	s9 =	sld [smem:$0x3FB7]  }
0x2f: {  	lr =	sadd.s32 s0, s3;
	s0 =	sld [smem:$0x3FAE]  }
0x30: {  	s3 =	sld [smem:$0x3FB1]  }
0x31: {  	[smem:$0x3FBA] =	sst s10  }
0x32: {  	s10 =	sld [smem:$0x3FB8];
	_ =	sdelay $0x3  }
0x33: {  	p0 =	seq.s32 s10, $0x1;
	s10 =	sld [smem:$0x3FBA];
	_ =	sdelay $0x3  }
0x34: {  	[smem:$0x3FBA] =	sst s10  }
0x35: {  	s10 =	sld [smem:$0x3FB9];
	_ =	sdelay $0x3  }
0x36: {  	p1 =	seq.s32 s10, $0x1;
	s10 =	sld [smem:$0x3FBA];
	_ =	sdelay $0x3  }
0x37: {  	[smem:$0x3FBA] =	sst s10  }
0x38: {  	s10 =	sld [smem:$0x3FBB]  }
0x39: {  	_ = 	snop;
	(pc) =	sbr.ind lr, $3  }
0x3a: {  	_ = 	snop  }
0x3b: {  	_ = 	snop  }
0x3c: {  	p2 =	seq.s32 s10, $0x1;
	s10 =	sld [smem:$0x3FBA]  }
0x3d: {  	_ =	shalt  }
0x3e: {  	_ =	shalt  }
0x3f: {  	_ =	shalt  }
0x40: {  	_ =	shalt  }
0x41: {  	_ =	shalt  }
0x42: {  	_ =	shalt  }
0x43: {  	_ =	shalt  }
0x44: {  	_ =	shalt  }
0x45: {  	_ =	shalt  }
0x46: {  	_ =	shalt  }
0x47: {  	_ =	shalt  }
0x48: {  	_ =	shalt  }
0x49: {  	_ =	shalt  }
0x4a: {  	_ =	shalt  }
0x4b: {  	_ =	shalt  }
0x4c: {  	_ =	shalt  }
0x4d: {  	_ =	shalt  }
0x4e: {  	_ =	shalt  }
0x4f: {  	_ =	shalt  }
0x50: {  	_ =	shalt  }
0x51: {  	_ =	shalt  }
0x52: {  	_ =	shalt  }
0x53: {  	_ =	shalt  }
0x54: {  	_ =	shalt  }
0x55: {  	_ =	shalt  }
0x56: {  	_ =	shalt  }
0x57: {  	_ =	shalt  }
0x58: {  	_ =	shalt  }
0x59: {  	_ =	shalt  }
0x5a: {  	_ =	shalt  }
0x5b: {  	_ =	shalt  }
0x5c: {  	_ =	shalt  }
0x5d: {  	_ =	shalt  }
0x5e: {  	_ =	shalt  }
0x5f: {  	_ =	shalt  }
0x60: {  	_ =	shalt  }
0x61: {  	_ =	shalt  }
0x62: {  	_ =	shalt  }
0x63: {  	_ =	shalt  }
0x64: {  	_ =	shalt  }
0x65: {  	_ =	shalt  }
0x66: {  	_ =	shalt  }
0x67: {  	_ =	shalt  }
0x68: {  	_ =	shalt  }
0x69: {  	_ =	shalt  }
0x6a: {  	_ =	shalt  }
0x6b: {  	_ =	shalt  }
0x6c: {  	_ =	shalt  }
0x6d: {  	_ =	shalt  }
0x6e: {  	_ =	shalt  }
0x6f: {  	_ =	shalt  }
0x70: {  	_ =	shalt  }
0x71: {  	_ =	shalt  }
0x72: {  	_ =	shalt  }
0x73: {  	_ =	shalt  }
0x74: {  	_ =	shalt  }
0x75: {  	_ =	shalt  }
0x76: {  	_ =	shalt  }
0x77: {  	_ =	shalt  }
0x78: {  	_ =	shalt  }
0x79: {  	_ =	shalt  }
0x7a: {  	_ =	shalt  }
0x7b: {  	_ =	shalt  }
0x7c: {  	_ =	shalt  }
0x7d: {  	_ =	shalt  }
0x7e: {  	_ =	shalt  }
0x7f: {  	_ =	shalt  }
0x80: {  	_ =	shalt  }
0x81: {  	_ =	shalt  }
0x82: {  	_ =	shalt  }
0x83: {  	_ =	shalt  }
0x84: {  	_ =	shalt  }
0x85: {  	_ =	shalt  }
0x86: {  	_ =	shalt  }
0x87: {  	_ =	shalt  }
.Lfunc_end0:
.L_simem_size_0:
called_computation.1_lowered:
.L_overlay_start_0:
0x88: {  	s2 =	sld [smem:$0x3FD9]  }
0x89: {  	s3 =	sld [smem:$0x3FFE];
	_ =	sdelay $0x1  }
0x8a: {  	s1 =	srdreg.scid  }
0x8b: {  	s0 =	sand.u32 $0x1, s1  }
0x8c: {  	s14 =	sshll.u32 s0, $0xA;
	s2 =	sadd.s32 s3, s2  }
0x8d: {  	s2 =	sadd.s32 s2, s14  }
0x8e: {  	[smem:$0x3FC6] =	sst s2  }
0x8f: {  	_ = 	snop  }
0x90: {  	s2 =	sld [smem:$0x3FD0];
	_ =	sdelay $0x2  }
0x91: {  	s15 =	simm.s32 $0xA;
	s4 =	simm.s32 $0x10  }
0x92: {  	[smem:s4], [sflag:s15] =	dma.local [hbm:s2], $0x1  }
0x93: {  	_ =	swait.eq [sflag:s15], $0x1  }
0x94: {  	[sflag:s15] =	ssyncset.done $0x0  }
0x95: {  	[sflag:s15] =	ssyncadd.s32 $0xFFFFFFFF  }
0x96: {  	s16 =	sld [smem:$0x11];
	(tm) =	ssettm $0x1  }
0x97: {  	s17 =	sld [smem:$0x3FFB];
	_ =	sdelay $0x3  }
0x98: {  	_ =	strace s17  }
0x99: {  	s3 =	sld [smem:$0x3FFC];
	_ =	sdelay $0x3  }
0x9a: {  	_ =	strace s3  }
0x9b: {  	s3 =	sld [smem:$0x3FFD];
	_ =	sdelay $0x3  }
0x9c: {  	_ =	strace s3  }
0x9d: {  	_ =	strace $0x8FFFFFFF  }
0x9e: {  	s18 =	sld [smem:$0x3FDB];
	_ =	sdelay $0x1  }
0x9f: {  	s19 =	simm.s32 $_scs_section_size  }
0xa0: {  	s5 =	simm.s32 $_size__tile_overlayer_lowered;
	s6 =	simm.s32 $_tile_overlayer_lowered  }
0xa1: {  	s22 =	simm.s32 $0x1BFF;
	s21 =	sshll.u32 s6, $0x1;
	s3 =	sadd.s32 s19, s18  }
0xa2: {  	s7 =	simm.s32 $0x0;
	s20 =	sshll.u32 s5, $0x1;
	s5 =	sadd.s32 s21, s3  }
0xa3: {  	[timem:s7], [sflag:s22] =	dma.local [hbm:s5], s20  }
0xa4: {  	_ =	swait.ge [sflag:s22], s20  }
0xa5: {  	s4 =	ssub.s32 $0x0, s20;
	[sflag:s22] =	ssyncset.done $0x0  }
0xa6: {  	[sflag:s22] =	ssyncadd.s32 s4;
	_ =	sdelay $0x1  }
0xa7: {  	s23 =	simm.s32 $0x1B8B  }
0xa8: {  	_ =	swait.ge [sflag:s23], $0x1  }
0xa9: {  	[sflag:s23] =	ssyncset.done $0x0  }
0xaa: {  	s25 =	simm.s32 $0x1B8E;
	s24 =	sld [smem:$0x3FFE];
	[sflag:s23] =	ssyncadd.s32 $0xFFFFFFFF  }
0xab: {  	s26 =	simm.s32 $execute0_lowered;
	[smem:$0x3FD2] =	sst s25  }
0xac: {  	s5 =	sshll.u32 s26, $0x1;
	_ =	strace $0x80000049;
	[dreg:$0x1] =	wrdreg $0xFFFFFFFF  }
0xad: {  	s28 =	simm.s32 $_size_execute0_lowered;
	s3 =	sadd.s32 s3, s5;
	[dreg:$0x0] =	wrdreg $0x0  }
0xae: {  	s5 =	sshll.u32 s28, $0x1;
	[dreg:$0x2] =	wrdreg s3  }
0xaf: {  	[dreg:$0x3] =	wrdreg s5  }
0xb0: {  	[dreg:$0x4] =	wrdreg $0xC0  }
0xb1: {  	_ =	task [dreg:s7], $0x5FFFF  }
0xb2: {  	[dreg:$0x1] =	wrdreg $0xFFFFFFFF  }
0xb3: {  	[dreg:$0x0] =	wrdreg $0x60  }
0xb4: {  	[dreg:$0x2] =	wrdreg s24  }
0xb5: {  	[dreg:$0x3] =	wrdreg s16  }
0xb6: {  	[dreg:$0x4] =	wrdreg $0x13A000  }
0xb7: {  	[dreg:$0x5] =	wrdreg $0x9  }
0xb8: {  	_ =	task.clear_ibuf [dreg:s7], $0x6FFFF;
	_ =	strace $0x90000049  }
0xb9: {  	s29 =	simm.s32 $0x9;
	_ =	strace $0x8000004B  }
0xba: {  	_ =	swait.ge [sflag:s29], $0x1  }
0xbb: {  	[sflag:s29] =	ssyncadd.s32 $0xFFFFFFFF  }
0xbc: {  	_ =	strace $0x9000004B  }
0xbd: {  	_ =	sfence  }
0xbe: {  	s30 =	sld [smem:$0x0];
	_ =	sdelay $0x2  }
0xbf: {  	s31 =	sshll.u32 s1, $0xD;
	s1 =	sshrl.u32 s1, $0x2  }
0xc0: {  	s3 =	sand.u32 $0x4000, s31;
	s1 =	sadd.s32 s1, s30  }
0xc1: {  	s0 =	sor.u32 s3, s0;
	s1 =	sshll.u32 s1, $0x11  }
0xc2: {  	s0 =	sor.u32 s1, s0  }
0xc3: {  	s0 =	sadd.s32 $0x8F2B, s0  }
0xc4: {  	[sflag:s0] =	ssyncadd.remote.s32 $0x1  }
0xc5: {  	_ =	sfence.sel $0xFFFF  }
0xc6: {  	[dreg:$0x0] =	wrdreg $0xFFFFFFFF;
	(pc) =	sbr.abs _section_cstart, $3  }
0xc7: {  	[dreg:$0x1] =	wrdreg $0xFFFFFFFF  }
0xc8: {  	_ =	task.clear_ibuf [dreg:s7], $0x2FFFF;
	_ =	strace $0x9FFFFFFF  }
0xc9: {  	(tm) =	ssettm $0x7FFFFFFF  }
tec
execute0_lowered:
.L_overlay_start_1:
0x0: {  	(tag) =	ssettag $0x1  }
0x1: {  	s0 =	rddreg [dreg:$0x0]  }
0x2: {  	s5 =	rddreg [dreg:$0x1]  }
0x3: {  	s1 =	rddreg [dreg:$0x2];
	s3 =	simm.s32 $0x0;
	s4 =	srdreg.scid  }
0x4: {  	s2 =	stileid.u32;
	s18 =	simm.s32 $0x4;
	s20 =	simm.s32 $0x5  }
0x5: {  	[smem:$0x7FF] =	sst s3;
	s6 =	sand.u32 $0x1, s4;
	s11 =	sadd.s32 $0xA00, s0  }
0x6: {  	s8 =	smul.u32 $0x668, s2;
	s4 =	sadd.s32 $0x300A00, s0;
	s12 =	sshll.u32 s2, $0xE  }
0x7: {  	s30 =	sshll.u32 s2, $0x6;
	_ =	strace $0x8000004A;
	s9 =	smul.u32 $0xC00000, s6  }
0x8: {  	s7 =	ssub.s32 $0x2, s6;
	s13 =	smul.u32 $0x133800, s6;
	s6 =	sadd.s32 s12, s1  }
0x9: {  	s14 =	sor.u32 $0x1C01, s30;
	s16 =	sor.u32 $0x1C02, s30;
	s21 =	sshrl.u32 s7, $0x1  }
0xa: {  	s10 =	sshrl.u32 s8, $0x3;
	s17 =	sadd.s32 $0x40000, s6;
	s31 =	sshrl.u32 s6, $0x3  }
0xb: {  	s0 =	ssub.s32 s7, s21;
	s5 =	sadd.s32 s5, s10;
	s9 =	sor.u32 s12, s9  }
0xc: {  	s23 =	sadd.s32 s8, s13;
	s13 =	simm.s32 $0x6;
	[dreg:$0x9] =	wrdreg s31  }
0xd: {  	s17 =	sshrl.u32 s17, $0x3;
	s21 =	simm.s32 $0x0;
	[dreg:$0x4] =	wrdreg s5  }
0xe: {  	s22 =	sshrl.u32 s9, $0x3;
	s25 =	sshrl.u32 s23, $0x3;
	s0 =	smax.u32 s0, $0x1  }
0xf: {  	s26 =	sor.u32 $0x80000, s9;
	s24 =	sadd.s32 s11, s22;
	[dreg:$0x8] =	wrdreg s0  }
0x10: {  	s10 =	sadd.s32 s4, s25;
	[dreg:$0x5] =	wrdreg s24;
	s5 =	sadd.s32 $0x8000, s24  }
0x11: {  	s29 =	sshrl.u32 s26, $0x3;
	s28 =	sadd.s32 $0x25A30, s10;
	[dreg:$0x6] =	wrdreg s5  }
0x12: {  	s12 =	sadd.s32 $0xFFFF9980, s23;
	s11 =	sadd.s32 s29, s11;
	[dreg:$0x7] =	wrdreg s28  }
.LBB2_1:
0x13: {  	s0 =	rddreg [dreg:$0x4]  }
0x14: {  	[tilespmem:s3], [sflag:$0x6] =	stream.linear.gather [hbm4b:s0+s3], $0x668, $0x38;
	[tilespmem:$0x1FA00] =	vst v63  }
0x15: {  	_ =	swait.ge [sflag:s13], $0x668  }
0x16: {  	[sflag:s13] =	ssyncset.done $0x0;
	s26 =	rddreg [dreg:$0x5]  }
0x17: {  	s2 =	rddreg [dreg:$0x9];
	[sflag:s13] =	ssyncadd.s32 $0xFFFFF998  }
0x18: {  	[spmem:s2], [sflag:s14] =	dma.local [hbm:s26], $0x800  }
0x19: {  	s0 =	rddreg [dreg:$0x6]  }
0x1a: {  	[spmem:s17], [sflag:s16] =	dma.local [hbm:s0], $0x800  }
0x1b: {  	s24 =	simm.s32 $0x2;
	s0 =	simm.s32 $0x0  }
0x1c: {  	s22 =	simm.s32 $0x19A0;
	p4 =	por $0x0, $0x0;
	s23 =	sand.u32 $0x1, s0  }
0x1d: {  	p3 =	sne.s32 s23, $0x0;
	p1 =	seq.s32 s23, $0x0;
	p0 =	seq.s32 s23, $0x1  }
0x1e: {  	p2 =	sne.s32 @!p4 s23, $0x0;
	s25 =	smul.u32 @!p3 $0xAB, s0;
	s26 =	simm.s32 @!p3 $0x1A0  }
0x1f: {  	s28 =	simm.s32 @!p3 $0x680;
	s29 =	simm.s32 @!p0 $0x1;
	s30 =	simm.s32 @!p3 $0x0  }
0x20: {  	p5 =	por @!p0 $0x0, $0x0;
	s0 =	smul.u32 @p0 $0xAB, s0;
	_ =	swait.ge @!p0 [sflag:s29], $0x800  }
0x21: {  	s31 =	simm.s32 @!p3 $0x820;
	s25 =	sshrl.u32 @!p3 s25, $0x9;
	[sflag:s29] =	ssyncset.done @!p0 $0x0  }
0x22: {  	s0 =	sshrl.u32 @p0 s0, $0x9;
	s25 =	sand.u32 @!p3 $0x7F, s25;
	[sflag:s29] =	ssyncadd.s32 @!p0 $0xFFFFF800  }
0x23: {  	s29 =	simm.s32 @!p1 $0x2;
	s0 =	sand.u32 @p0 $0x7F, s0;
	s25 =	smul.u32 @!p3 $0x3, s25  }
0x24: {  	p6 =	por !p0, !p0;
	_ =	swait.ge @!p1 [sflag:s29], $0x800;
	s0 =	smul.u32 @p0 $0x3, s0  }
0x25: {  	[sflag:s29] =	ssyncset.done @!p1 $0x0;
	s23 =	ssub.s32 @!p3 $0x0, s25;
	s25 =	simm.s32 @!p3 $0xB50  }
0x26: {  	[sflag:s29] =	ssyncadd.s32 @!p1 $0xFFFFF800;
	p1 =	por p2, p4;
	p2 =	por @p0 $0x1, $0x1  }
0x27: {  	s0 =	ssub.s32 @p0 $0x0, s0;
	s23 =	sand.u32 @!p3 $0xFF, s23;
	[bflag:$0x0] =	sbarrier.arrive $0xFFFF  }
0x28: {  	p2 =	por @!p0 p5, p5;
	s0 =	sand.u32 @p0 $0xFF, s0;
	p5 =	por p4, p6  }
0x29: {  	s23 =	sshll.u32 @!p3 s23, $0x12;
	s0 =	sshll.u32 @p0 s0, $0x12;
	p4 =	por !p2, p3  }
0x2a: {  	s29 =	sadd.s32 @!p3 s23, s1;
	s23 =	smul.u32 @!p1 $0xAB, s24;
	s0 =	sadd.s32 @p0 s0, s1  }
0x2b: {  	[tilespmem:s28], [sflag:$0x3] =	stream.indirect.gather @!p3 [spmem:s29], $0x1, s30, s26, $0xb8;
	[tilespmem:$0x1FA00] =	vst v63  }
0x2c: {  	s24 =	smul.u32 @!p5 $0xAB, s24;
	s28 =	simm.s32 @!p3 $0x198;
	s23 =	sshrl.u32 @!p1 s23, $0x9  }
0x2d: {  	[tilespmem:s31], [sflag:$0x3] =	stream.indirect.gather @!p3 [spmem:s29], $0x1, s26, s28, $0xb8;
	[tilespmem:$0x1FA00] =	vst v63  }
0x2e: {  	s30 =	simm.s32 @!p3 $0x9B8;
	s24 =	sshrl.u32 @!p5 s24, $0x9;
	s26 =	sand.u32 @!p1 $0x7F, s23  }
0x2f: {  	s23 =	simm.s32 @!p3 $0x338;
	s24 =	sand.u32 @!p5 $0x7F, s24;
	s26 =	smul.u32 @!p1 $0x3, s26  }
0x30: {  	[tilespmem:s30], [sflag:$0x3] =	stream.indirect.gather @!p3 [spmem:s29], $0x1, s23, s28, $0xb8;
	[tilespmem:$0x1FA00] =	vst v63  }
0x31: {  	s31 =	simm.s32 @!p3 $0x4D0;
	s24 =	smul.u32 @!p5 $0x3, s24;
	s23 =	sadd.s32 $0x6680, s12  }
0x32: {  	[tilespmem:s25], [sflag:$0x3] =	stream.indirect.gather @!p3 [spmem:s29], $0x1, s31, s28, $0xb8;
	[tilespmem:$0x1FA00] =	vst v63  }
0x33: {  	s30 =	sshrl.u32 @p2 s12, $0x3;
	s26 =	ssub.s32 @!p1 $0x2, s26;
	s25 =	simm.s32 @p0 $0x680  }
0x34: {  	s28 =	simm.s32 @p0 $0x0;
	s29 =	simm.s32 @p0 $0x1A0;
	s26 =	sand.u32 @!p1 $0xFF, s26  }
0x35: {  	[tilespmem:s25], [sflag:$0x4] =	stream.indirect.gather @p0 [spmem:s0], $0x1, s28, s29, $0xb8;
	[tilespmem:$0x1FA00] =	vst v63  }
0x36: {  	s26 =	sshll.u32 @!p1 s26, $0x12;
	s25 =	simm.s32 @p0 $0x820;
	s28 =	simm.s32 @p0 $0x198  }
0x37: {  	[tilespmem:s25], [sflag:$0x4] =	stream.indirect.gather @p0 [spmem:s0], $0x1, s29, s28, $0xb8;
	[tilespmem:$0x1FA00] =	vst v63  }
0x38: {  	s25 =	simm.s32 @p0 $0x9B8;
	s29 =	sadd.s32 @p2 s4, s30;
	s30 =	simm.s32 @p0 $0x338  }
0x39: {  	[tilespmem:s25], [sflag:$0x4] =	stream.indirect.gather @p0 [spmem:s0], $0x1, s30, s28, $0xb8;
	[tilespmem:$0x1FA00] =	vst v63  }
0x3a: {  	s31 =	simm.s32 @p0 $0xB50;
	s26 =	sadd.s32 @!p1 s26, s6;
	s25 =	simm.s32 @p0 $0x4D0  }
0x3b: {  	[tilespmem:s31], [sflag:$0x4] =	stream.indirect.gather @p0 [spmem:s0], $0x1, s25, s28, $0xb8;
	[tilespmem:$0x1FA00] =	vst v63  }
0x3c: {  	s30 =	ssub.s32 @!p5 $0x2, s24;
	s24 =	smov.u32 s11;
	s28 =	simm.s32 @p0 $0x3  }
0x3d: {  	s31 =	simm.s32 @p2 $0x18;
	s0 =	sshrl.u32 @!p1 s26, $0x3;
	_ =	swait.ge @p0 [sflag:s28], $0x668  }
0x3e: {  	s25 =	sadd.s32 $0x8000, s11;
	s26 =	simm.s32 $0x3;
	[sflag:s28] =	ssyncset.done @p0 $0x0  }
.LBB2_2:
0x3f: {  	[sflag:s28] =	ssyncadd.s32 @p0 $0xFFFFF998;
	s2 =	simm.s32 @!p4 $0x4  }
0x40: {  	s19 =	sand.u32 @!p5 $0xFF, s30;
	s28 =	smov.u32 s22;
	s30 =	smov.u32 s23  }
0x41: {  	s22 =	sadd.s32 $0x19A0, s22;
	_ =	swait.ge @!p4 [sflag:s2], $0x668;
	s19 =	sshll.u32 @!p5 s19, $0x12  }
0x42: {  	p3 =	sne.s32 s22, $0x4CE00;
	[sflag:s2] =	ssyncset.done @!p4 $0x0;
	s19 =	sadd.s32 @!p5 s19, s6  }
0x43: {  	[sflag:s2] =	ssyncadd.s32 @!p4 $0xFFFFF998;
	s2 =	simm.s32 @p2 $0x0;
	s19 =	sshrl.u32 @!p5 s19, $0x3  }
0x44: {  	[hbm4b:s29+s2] =	stream.linear.scatter @p2 [tilespmem:s31], [sflag:$0x5], $0x668, $0x38;
	[tilespmem:$0x1FA00] =	vst v63  }
0x45: {  	[bflag:$0x0] =	sbarrier.arrive $0xFFFF  }
0x46: {  	[spmem:s0], [sflag:s14] =	dma.local @!p1 [hbm:s24], $0x800  }
0x47: {  	[spmem:s19], [sflag:s16] =	dma.local @!p5 [hbm:s24], $0x800  }
0x48: {  	s29 =	sadd.s32 $0xFFFFFFFE, s26;
	s24 =	smov.u32 s25  }
0x49: {  	s0 =	sand.u32 $0x1, s29  }
0x4a: {  	p2 =	seq.s32 s0, $0x0;
	p4 =	sne.s32 s0, $0x0;
	p5 =	sgt.u32 s29, $0x2D  }
0x4b: {  	s2 =	smul.u32 @!p4 $0xAB, s29;
	s19 =	sshra.s32 @!p4 s28, $0x2;
	s31 =	simm.s32 @!p4 $0x1A0  }
0x4c: {  	p0 =	seq.s32 s0, $0x1;
	s5 =	simm.s32 @!p4 $0x0;
	s3 =	sadd.s32 @!p4 $0x680, s19  }
0x4d: {  	s8 =	simm.s32 @!p0 $0x1;
	p6 =	sne.s32 @!p0 s28, $0x0;
	s2 =	sshrl.u32 @!p4 s2, $0x9  }
0x4e: {  	s9 =	sadd.s32 @!p4 $0x820, s19;
	s2 =	sand.u32 @!p4 $0x7F, s2;
	_ =	swait.ge @!p0 [sflag:s8], $0x800  }
0x4f: {  	p1 =	sne.s32 @!p5 s0, $0x0;
	s2 =	smul.u32 @!p4 $0x3, s2;
	[sflag:s8] =	ssyncset.done @!p0 $0x0  }
0x50: {  	s0 =	simm.s32 @!p2 $0x2;
	[sflag:s8] =	ssyncadd.s32 @!p0 $0xFFFFF800;
	s8 =	smul.u32 @p0 $0xAB, s29  }
0x51: {  	s10 =	sadd.s32 @!p4 $0xB50, s19;
	s2 =	ssub.s32 @!p4 s29, s2;
	_ =	swait.ge @!p2 [sflag:s0], $0x800  }
0x52: {  	p1 =	por p1, p5;
	s2 =	sand.u32 @!p4 $0xFF, s2;
	[sflag:s0] =	ssyncset.done @!p2 $0x0  }
0x53: {  	[sflag:s0] =	ssyncadd.s32 @!p2 $0xFFFFF800;
	s0 =	sshll.u32 @!p4 s2, $0x12;
	s2 =	smul.u32 @!p1 $0xAB, s26  }
0x54: {  	s8 =	sshrl.u32 @p0 s8, $0x9;
	[bflag:$0x0] =	sbarrier.arrive $0xFFFF;
	s0 =	sadd.s32 @!p4 s0, s1  }
0x55: {  	[tilespmem:s3], [sflag:$0x3] =	stream.indirect.gather @!p4 [spmem:s0], $0x1, s5, s31, $0xb8;
	[tilespmem:$0x1FA00] =	vst v63  }
0x56: {  	s8 =	sand.u32 @p0 $0x7F, s8;
	s3 =	simm.s32 @!p4 $0x198;
	s5 =	sadd.s32 @!p4 $0x9B8, s19  }
0x57: {  	p2 =	por @p0 $0x1, $0x1;
	s8 =	smul.u32 @p0 $0x3, s8;
	s2 =	sshrl.u32 @!p1 s2, $0x9  }
0x58: {  	s23 =	sadd.s32 $0x6680, s23;
	p2 =	por @!p0 p6, p6;
	s2 =	sand.u32 @!p1 $0x7F, s2  }
0x59: {  	s19 =	sshrl.u32 @p2 s30, $0x3;
	s8 =	ssub.s32 @p0 s29, s8;
	s2 =	smul.u32 @!p1 $0x3, s2  }
0x5a: {  	[tilespmem:s9], [sflag:$0x3] =	stream.indirect.gather @!p4 [spmem:s0], $0x1, s31, s3, $0xb8;
	[tilespmem:$0x1FA00] =	vst v63  }
0x5b: {  	s30 =	sshra.s32 @p2 s28, $0x2;
	s8 =	sand.u32 @p0 $0xFF, s8;
	s9 =	simm.s32 @!p4 $0x338  }
0x5c: {  	[tilespmem:s5], [sflag:$0x3] =	stream.indirect.gather @!p4 [spmem:s0], $0x1, s9, s3, $0xb8;
	[tilespmem:$0x1FA00] =	vst v63  }
0x5d: {  	s8 =	sshll.u32 @p0 s8, $0x12;
	s5 =	simm.s32 @!p4 $0x4D0;
	s9 =	sshra.s32 @p0 s28, $0x2  }
0x5e: {  	s28 =	sadd.s32 @p0 $0x680, s9;
	s7 =	sadd.s32 @p0 $0x820, s9;
	s15 =	sadd.s32 @p0 $0x9B8, s9  }
0x5f: {  	s29 =	sadd.s32 @p2 s4, s19;
	s8 =	sadd.s32 @p0 s8, s1;
	s9 =	sadd.s32 @p0 $0xB50, s9  }
0x60: {  	[tilespmem:s10], [sflag:$0x3] =	stream.indirect.gather @!p4 [spmem:s0], $0x1, s5, s3, $0xb8;
	[tilespmem:$0x1FA00] =	vst v63  }
0x61: {  	p6 =	por !p0, !p0;
	s31 =	sadd.s32 @p2 $0x18, s30;
	s0 =	simm.s32 @p0 $0x0  }
0x62: {  	p5 =	por p5, p6;
	s2 =	ssub.s32 @!p1 s26, s2;
	s3 =	simm.s32 @p0 $0x1A0  }
0x63: {  	[tilespmem:s28], [sflag:$0x4] =	stream.indirect.gather @p0 [spmem:s8], $0x1, s0, s3, $0xb8;
	[tilespmem:$0x1FA00] =	vst v63  }
0x64: {  	s5 =	simm.s32 @p0 $0x198;
	s0 =	sand.u32 @!p1 $0xFF, s2;
	s2 =	smul.u32 @!p5 $0xAB, s26  }
0x65: {  	[tilespmem:s7], [sflag:$0x4] =	stream.indirect.gather @p0 [spmem:s8], $0x1, s3, s5, $0xb8;
	[tilespmem:$0x1FA00] =	vst v63  }
0x66: {  	s0 =	sshll.u32 @!p1 s0, $0x12;
	s3 =	simm.s32 @p0 $0x4D0;
	s2 =	sshrl.u32 @!p5 s2, $0x9  }
0x67: {  	s7 =	simm.s32 @p0 $0x338;
	s0 =	sadd.s32 @!p1 s0, s6;
	s2 =	sand.u32 @!p5 $0x7F, s2  }
0x68: {  	[tilespmem:s15], [sflag:$0x4] =	stream.indirect.gather @p0 [spmem:s8], $0x1, s7, s5, $0xb8;
	[tilespmem:$0x1FA00] =	vst v63  }
.Ltmp0:
0x69: {  	_ = 	snop;
	(pc) =	sbr.rel @p3 .LBB2_2-.Ltmp0, $4  }
0x6a: {  	s28 =	simm.s32 @p0 $0x3;
	s0 =	sshrl.u32 @!p1 s0, $0x3;
	s2 =	smul.u32 @!p5 $0x3, s2  }
0x6b: {  	[tilespmem:s9], [sflag:$0x4] =	stream.indirect.gather @p0 [spmem:s8], $0x1, s3, s5, $0xb8;
	[tilespmem:$0x1FA00] =	vst v63  }
0x6c: {  	s25 =	sadd.s32 $0x8000, s25;
	s30 =	ssub.s32 @!p5 s26, s2;
	_ =	swait.ge @p0 [sflag:s28], $0x668  }
0x6d: {  	p4 =	por !p2, p4;
	s26 =	sadd.s32 $0x1, s26;
	[sflag:s28] =	ssyncset.done @p0 $0x0  }
0x6e: {  	[sflag:s28] =	ssyncadd.s32 @p0 $0xFFFFF998;
	s2 =	simm.s32 @!p4 $0x4  }
0x6f: {  	s3 =	sand.u32 @!p5 $0xFF, s30;
	_ =	swait.ge @!p4 [sflag:s2], $0x668  }
0x70: {  	s3 =	sshll.u32 @!p5 s3, $0x12;
	[sflag:s2] =	ssyncset.done @!p4 $0x0  }
0x71: {  	s3 =	sadd.s32 @!p5 s3, s6;
	[sflag:s2] =	ssyncadd.s32 @!p4 $0xFFFFF998;
	s2 =	simm.s32 @p2 $0x0  }
0x72: {  	[hbm4b:s29+s2] =	stream.linear.scatter @p2 [tilespmem:s31], [sflag:$0x5], $0x668, $0x38;
	[tilespmem:$0x1FA00] =	vst v63  }
0x73: {  	s2 =	sshrl.u32 @!p5 s3, $0x3;
	[bflag:$0x0] =	sbarrier.arrive $0xFFFF  }
0x74: {  	[spmem:s0], [sflag:s14] =	dma.local @!p1 [hbm:s24], $0x800  }
0x75: {  	[spmem:s2], [sflag:s16] =	dma.local @!p5 [hbm:s24], $0x800  }
0x76: {  	_ =	swait.ge [sflag:s18], $0x668  }
0x77: {  	s30 =	simm.s32 $0x13398;
	[sflag:s18] =	ssyncset.done $0x0  }
0x78: {  	s3 =	simm.s32 $0x0;
	s29 =	rddreg [dreg:$0x7];
	[sflag:s18] =	ssyncadd.s32 $0xFFFFF998  }
0x79: {  	[hbm4b:s29+s3] =	stream.linear.scatter [tilespmem:s30], [sflag:$0x5], $0x668, $0x38;
	[tilespmem:$0x1FA00] =	vst v63  }
0x7a: {  	_ =	swait.ge [sflag:s20], $0x13380  }
0x7b: {  	s21 =	sadd.s32 $0x1, s21;
	s31 =	rddreg [dreg:$0x8]  }
0x7c: {  	p0 =	sne.s32 s21, s31  }
.Ltmp1:
0x7d: {  	_ = 	snop;
	(pc) =	sbr.rel @p0 .LBB2_1-.Ltmp1, $3  }
0x7e: {  	_ =	sdelay $0x1  }
0x7f: {  	[sflag:s20] =	ssyncset.done $0x0  }
0x80: {  	[sflag:s20] =	ssyncadd.s32 $0xFFFECC80  }
0x81: {  	_ =	sfence.sel $0x180000  }
0x82: {  	[bflag:$0x0] =	sbarrier.arrive $0xFFFF  }
0x83: {  	_ =	strace $0x9000004A  }
0x84: {  	s0 =	stileid.u32;
	[bflag:$0x2] =	sbarrier.arrive $0xFFFF  }
0x85: {  	p0 =	sne.s32 s0, $0x0;
	s0 =	rddreg [dreg:$0x3]  }
0x86: {  	s0 =	sadd.s32 @!p0 $0x100000, s0  }
0x87: {  	[sflag:s0] =	ssyncadd.tile.s32 @!p0 $0x1;
	_ =	shalt  }
.Lfunc_end2:
_tile_overlayer_lowered:
.L_overlay_start_2:
0x88: {  	(tag) =	ssettag $0x2  }
0x89: {  	s0 =	rddreg [dreg:$0x0];
	s2 =	stileid.u32  }
0x8a: {  	s1 =	rddreg [dreg:$0x1];
	p0 =	sne.s32 s2, $0x0  }
0x8b: {  	s3 =	rddreg [dreg:$0x2];
	[bflag:$0x3] =	sbarrier.arrive $0xFFFF;
	s2 =	simm.s32 @!p0 $0x1C06  }
0x8c: {  	[timem:s3], [sflag:s2] =	dma.local @!p0 [hbm:s0], s1  }
0x8d: {  	s0 =	simm.s32 @!p0 $0x6  }
0x8e: {  	_ =	swait.ge @!p0 [sflag:s0], s1  }
0x8f: {  	s1 =	ssub.s32 @!p0 $0x0, s1;
	[sflag:s0] =	ssyncset.done @!p0 $0x0  }
0x90: {  	[sflag:s0] =	ssyncadd.s32 @!p0 s1  }
0x91: {  	[bflag:$0x3] =	sbarrier.arrive $0xFFFF  }
0x92: {  	_ =	shalt  }

// kernel: sparse-core-data-format-call.cloned.1.call-start
scs
called_computation_lowered:
.L_overlay_start_0:
0x0: {  	s2 =	sld [smem:$0x3FD9]  }
0x1: {  	s3 =	sld [smem:$0x3FFE];
	_ =	sdelay $0x1  }
0x2: {  	s1 =	srdreg.scid  }
0x3: {  	s0 =	sand.u32 $0x1, s1  }
0x4: {  	s18 =	sshll.u32 s0, $0xA;
	s2 =	sadd.s32 s3, s2  }
0x5: {  	s2 =	sadd.s32 s2, s18  }
0x6: {  	[smem:$0x3FC6] =	sst s2  }
0x7: {  	_ = 	snop  }
0x8: {  	s2 =	sld [smem:$0x3FC9];
	(tm) =	ssettm $0x1  }
0x9: {  	s19 =	sld [smem:$0x3FFB];
	_ =	sdelay $0x3  }
0xa: {  	_ =	strace s19  }
0xb: {  	s3 =	sld [smem:$0x3FFC];
	_ =	sdelay $0x3  }
0xc: {  	_ =	strace s3  }
0xd: {  	s3 =	sld [smem:$0x3FFD];
	_ =	sdelay $0x3  }
0xe: {  	_ =	strace s3  }
0xf: {  	_ =	strace $0x8FFFFFFF  }
0x10: {  	s20 =	sld [smem:$0x3FDB];
	_ =	sdelay $0x1  }
0x11: {  	s4 =	simm.s32 $_scs_section_size  }
0x12: {  	s5 =	simm.s32 $_size__tile_overlayer_lowered;
	s6 =	simm.s32 $_tile_overlayer_lowered  }
0x13: {  	s23 =	simm.s32 $0x1BFF;
	s22 =	sshll.u32 s6, $0x1;
	s3 =	sadd.s32 s4, s20  }
0x14: {  	s7 =	simm.s32 $0x0;
	s21 =	sshll.u32 s5, $0x1;
	s5 =	sadd.s32 s22, s3  }
0x15: {  	[timem:s7], [sflag:s23] =	dma.local [hbm:s5], s21  }
0x16: {  	_ =	swait.ge [sflag:s23], s21  }
0x17: {  	s4 =	ssub.s32 $0x0, s21;
	[sflag:s23] =	ssyncset.done $0x0  }
0x18: {  	[sflag:s23] =	ssyncadd.s32 s4;
	_ =	sdelay $0x1  }
0x19: {  	s24 =	simm.s32 $0x1B8B  }
0x1a: {  	_ =	swait.ge [sflag:s24], $0x1  }
0x1b: {  	[sflag:s24] =	ssyncset.done $0x0  }
0x1c: {  	s26 =	simm.s32 $0x1B8E;
	s25 =	sld [smem:$0x3FFE];
	[sflag:s24] =	ssyncadd.s32 $0xFFFFFFFF  }
0x1d: {  	s27 =	simm.s32 $execute0_lowered;
	[smem:$0x3FD2] =	sst s26  }
0x1e: {  	s5 =	sshll.u32 s27, $0x1;
	_ =	strace $0x80000046;
	[dreg:$0x1] =	wrdreg $0xFFFFFFFF  }
0x1f: {  	s28 =	simm.s32 $_size_execute0_lowered;
	s3 =	sadd.s32 s3, s5;
	[dreg:$0x0] =	wrdreg $0x0  }
0x20: {  	s5 =	sshll.u32 s28, $0x1;
	[dreg:$0x2] =	wrdreg s3  }
0x21: {  	[dreg:$0x3] =	wrdreg s5  }
0x22: {  	[dreg:$0x4] =	wrdreg $0xC0  }
0x23: {  	_ =	task [dreg:s7], $0x5FFFF  }
0x24: {  	[dreg:$0x1] =	wrdreg $0xFFFFFFFF  }
0x25: {  	[dreg:$0x0] =	wrdreg $0x60  }
0x26: {  	[dreg:$0x2] =	wrdreg s2  }
0x27: {  	[dreg:$0x3] =	wrdreg s25  }
0x28: {  	[dreg:$0x4] =	wrdreg $0x9  }
0x29: {  	_ =	task.clear_ibuf [dreg:s7], $0x5FFFF;
	_ =	strace $0x90000046  }
0x2a: {  	s29 =	simm.s32 $0x9;
	_ =	strace $0x80000048  }
0x2b: {  	_ =	swait.ge [sflag:s29], $0x1  }
0x2c: {  	[sflag:s29] =	ssyncadd.s32 $0xFFFFFFFF  }
0x2d: {  	_ =	strace $0x90000048  }
0x2e: {  	_ =	sfence  }
0x2f: {  	s30 =	sld [smem:$0x0];
	_ =	sdelay $0x2  }
0x30: {  	s31 =	sshll.u32 s1, $0xD;
	s1 =	sshrl.u32 s1, $0x2  }
0x31: {  	s3 =	sand.u32 $0x4000, s31;
	s1 =	sadd.s32 s1, s30  }
0x32: {  	s0 =	sor.u32 s3, s0;
	s1 =	sshll.u32 s1, $0x11  }
0x33: {  	s0 =	sor.u32 s1, s0  }
0x34: {  	s0 =	sadd.s32 $0x8F2B, s0  }
0x35: {  	[sflag:s0] =	ssyncadd.remote.s32 $0x1  }
0x36: {  	_ =	sfence.sel $0xFFFF  }
0x37: {  	[dreg:$0x0] =	wrdreg $0xFFFFFFFF;
	(pc) =	sbr.abs _section_cstart, $3  }
0x38: {  	[dreg:$0x1] =	wrdreg $0xFFFFFFFF  }
0x39: {  	_ =	task.clear_ibuf [dreg:s7], $0x2FFFF;
	_ =	strace $0x9FFFFFFF  }
0x3a: {  	(tm) =	ssettm $0x7FFFFFFF  }
0x3b: {  	_ =	shalt  }
tec
execute0_lowered:
.L_overlay_start_1:
0x0: {  	(tag) =	ssettag $0x1  }
0x1: {  	s0 =	srdreg.scid  }
0x2: {  	s1 =	sshll.u32 s0, $0x4  }
0x3: {  	s0 =	stileid.u32;
	s1 =	sand.u32 $0x10, s1  }
0x4: {  	s3 =	rddreg [dreg:$0x0];
	s1 =	sor.u32 s0, s1  }
0x5: {  	s6 =	rddreg [dreg:$0x1];
	s7 =	simm.s32 $0x2;
	s2 =	sshll.u32 s1, $0x4  }
0x6: {  	s14 =	simm.s32 $0x0;
	s8 =	simm.s32 $0x800;
	s1 =	ssub.s32 $0x800, s2  }
0x7: {  	s9 =	simm.s32 $0x40000;
	s10 =	simm.s32 $0x0;
	s4 =	sand.u32 $0x1F0, s1  }
0x8: {  	s15 =	simm.s32 $0x0;
	p0 =	sne.s32 s4, $0x0;
	s4 =	simm.s32 $0x1  }
.Ltmp0:
0x9: {  	s5 =	sshrl.u32 s1, $0x9;
	s4 =	simm.s32 @!p0 $0x0;
	(pc) =	sbr.rel .LBB1_1-.Ltmp0, $4  }
0xa: {  	s12 =	simm.s32 $0x0;
	s1 =	rddreg [dreg:$0x2];
	s5 =	sadd.s32 s4, s5  }
0xb: {  	_ =	strace $0x80000047;
	s4 =	simm.s32 $0x1;
	s5 =	smul.u32 $0xC, s5  }
0xc: {  	s13 =	simm.s32 $0x0;
	s6 =	sadd.s32 $0xA00, s6;
	[sflag:s4] =	ssyncpa.u1 $0x0  }
0xd: {  	s11 =	smov.u32 s2;
	[sflag:s7] =	ssyncpa.u1 $0x0;
	s7 =	sor.u32 $0x1, s5  }
.LBB1_7:
0xe: {  	s16 =	sadd.s32 $0x200, s11  }
0xf: {  	s14 =	simm.s32 $0x1;
	p1 =	sgt.s32 s16, $0x7FF  }
0x10: {  	s14 =	simm.s32 @!p1 $0x0  }
0x11: {  	s18 =	sadd.s32 s14, s12  }
0x12: {  	s16 =	smov.u32 @p1 s2;
	p1 =	sgt.s32 s18, $0xB  }
0x13: {  	s18 =	simm.s32 @p1 $0x0;
	p1 =	sne.s32 s13, s7  }
.Ltmp1:
0x14: {  	p0 =	slt.u32 s13, $0x2;
	(pc) =	sbr.rel @!p1 .LBB1_8-.Ltmp1, $4  }
0x15: {  	s17 =	simm.s32 @!p0 $0x2  }
0x16: {  	s15 =	smov.u32 s12;
	s10 =	sadd.s32 $0x4000, s10;
	_ =	swait.ge @!p0 [sflag:s17], $0x4000  }
0x17: {  	[sflag:s17] =	ssyncset.done @!p0 $0x0;
	s14 =	smov.u32 s11;
	s11 =	smov.u32 s16  }
0x18: {  	[sflag:s17] =	ssyncadd.s32 @!p0 $0xFFFFC000;
	s13 =	sadd.s32 $0x1, s13;
	s12 =	smov.u32 s18  }
.LBB1_1:
0x19: {  	p0 =	sge.u32 s13, s5  }
0x1a: {  	s31 =	sadd.s32 $0xFFFFFFFF, s13;
	s16 =	sxor.u32 @!p0 $0xFFFFFFFF, s13;
	s17 =	sshll.u32 @!p0 s12, $0x12  }
0x1b: {  	s18 =	sshll.u32 @!p0 s11, $0x7;
	s16 =	sshll.u32 @!p0 s16, $0xE;
	s17 =	sadd.s32 @!p0 s3, s17  }
0x1c: {  	s16 =	sand.u32 @!p0 $0x4000, s16;
	s17 =	sadd.s32 @!p0 s18, s17;
	s18 =	simm.s32 @!p0 $0x0  }
0x1d: {  	[tilespmem:s16], [sflag:$0x1] =	stream.linear.gather @!p0 [hbm4b:s17+s18], $0x4000, $0x38;
	[tilespmem:$0x10000] =	vst v63  }
0x1e: {  	p0 =	sge.u32 s31, s5  }
.Ltmp2:
0x1f: {  	_ = 	snop;
	(pc) =	sbr.rel @p0 .LBB1_7-.Ltmp2, $1  }
0x20: {  	_ =	sdelay $0x3  }
0x21: {  	s17 =	sand.u32 $0x4000, s10  }
0x22: {  	_ =	swait.ge [sflag:s4], $0x4000;
	s19 =	sshll.u32 s13, $0xE;
	s16 =	sor.u32 $0x8040, s17  }
0x23: {  	s18 =	sor.u32 $0x40, s17;
	[sflag:s4] =	ssyncset.done $0x0;
	s31 =	sand.u32 $0x4000, s19  }
0x24: {  	s19 =	simm.s32 $0x0;
	[sflag:s4] =	ssyncadd.s32 $0xFFFFC000;
	s17 =	sor.u32 $0x8000, s31  }
.LBB1_3:
0x25: {  	v0 =	vmov s18;
	_ =	sdelay $0x3  }
0x26: {  	s21 =	simm.s32 $0x0  }
0x27: {  	v6 =	vld.idx.msk [tilespmem:v0+s21+$0x30 ss:$0x1], $0xffff  }
0x28: {  	v7 =	vld.idx.msk [tilespmem:v0+s21+$0xFFFFFFC0 ss:$0x1], $0xffff  }
0x29: {  	v5 =	vld.idx.msk [tilespmem:v0+s21+$0xFFFFFFD0 ss:$0x1], $0xffff  }
0x2a: {  	v4 =	vld.idx.msk [tilespmem:v0+s21+$0xFFFFFFE0 ss:$0x1], $0xffff  }
0x2b: {  	v3 =	vld.idx.msk [tilespmem:v0+s21+$0xFFFFFFF0 ss:$0x1], $0xffff  }
0x2c: {  	v1 =	vld.idx.msk [tilespmem:v0+s21+$0x0 ss:$0x1], $0xffff  }
0x2d: {  	v2 =	vld.idx.msk [tilespmem:v0+s21+$0x10 ss:$0x1], $0xffff;
	[tilespmem:s16+$0x30] =	vst v6  }
0x2e: {  	s20 =	simm.s32 $0x80;
	s22 =	simm.s32 $0x400;
	[tilespmem:s16+$0xFFFFFFC0] =	vst v7;
	v6 =	vld.idx.msk [tilespmem:v0+s21+$0x20 ss:$0x1], $0xffff;
	s21 =	smov.u32 s16  }
.LBB1_4:
0x2f: {  	p0 =	sne.s32 s22, $0xE00;
	v7 =	vld.idx.msk [tilespmem:v0+s20+$0x30 ss:$0x1], $0xffff;
	[tilespmem:s21+$0xFFFFFFD0] =	vst v5  }
0x30: {  	v8 =	vld.idx.msk [tilespmem:v0+s20+$0xFFFFFFC0 ss:$0x1], $0xffff;
	[tilespmem:s21+$0xFFFFFFE0] =	vst v4  }
0x31: {  	v5 =	vld.idx.msk [tilespmem:v0+s20+$0xFFFFFFD0 ss:$0x1], $0xffff;
	[tilespmem:s21+$0xFFFFFFF0] =	vst v3  }
.Ltmp3:
0x32: {  	v4 =	vld.idx.msk [tilespmem:v0+s20+$0xFFFFFFE0 ss:$0x1], $0xffff;
	[tilespmem:s21+$0x0] =	vst v1;
	(pc) =	sbr.rel @p0 .LBB1_4-.Ltmp3, $4  }
0x33: {  	v3 =	vld.idx.msk [tilespmem:v0+s20+$0xFFFFFFF0 ss:$0x1], $0xffff;
	[tilespmem:s21+$0x10] =	vst v2  }
0x34: {  	v1 =	vld.idx.msk [tilespmem:v0+s20+$0x0 ss:$0x1], $0xffff;
	[tilespmem:s21+$0x20] =	vst v6;
	s21 =	sadd.s32 $0x800, s21  }
0x35: {  	v2 =	vld.idx.msk [tilespmem:v0+s20+$0x10 ss:$0x1], $0xffff;
	[tilespmem:s21+$0x30] =	vst v7  }
0x36: {  	[tilespmem:s21+$0xFFFFFFC0] =	vst v8;
	v6 =	vld.idx.msk [tilespmem:v0+s20+$0x20 ss:$0x1], $0xffff;
	s20 =	sshra.s32 s22, $0x2;
	s22 =	sadd.s32 $0x200, s22  }
0x37: {  	_ =	sdelay $0x2  }
0x38: {  	[tilespmem:s21+$0xFFFFFFD0] =	vst v5  }
0x39: {  	v56 =	vld.idx.msk [tilespmem:v0+s20+$0x30 ss:$0x1], $0xffff;
	[tilespmem:s21+$0xFFFFFFE0] =	vst v4  }
0x3a: {  	v57 =	vld.idx.msk [tilespmem:v0+s20+$0xFFFFFFC0 ss:$0x1], $0xffff;
	[tilespmem:s21+$0xFFFFFFF0] =	vst v3  }
0x3b: {  	v58 =	vld.idx.msk [tilespmem:v0+s20+$0xFFFFFFD0 ss:$0x1], $0xffff;
	[tilespmem:s21+$0x0] =	vst v1  }
0x3c: {  	v59 =	vld.idx.msk [tilespmem:v0+s20+$0xFFFFFFE0 ss:$0x1], $0xffff;
	[tilespmem:s21+$0x10] =	vst v2  }
0x3d: {  	v60 =	vld.idx.msk [tilespmem:v0+s20+$0xFFFFFFF0 ss:$0x1], $0xffff;
	s31 =	sadd.s32 $0x800, s21;
	[tilespmem:s21+$0x20] =	vst v6  }
0x3e: {  	v61 =	vld.idx.msk [tilespmem:v0+s20+$0x0 ss:$0x1], $0xffff;
	[tilespmem:s31+$0x30] =	vst v56  }
0x3f: {  	v62 =	vld.idx.msk [tilespmem:v0+s20+$0x10 ss:$0x1], $0xffff;
	s19 =	sadd.s32 $0x1, s19;
	[tilespmem:s31+$0xFFFFFFC0] =	vst v57  }
0x40: {  	v63 =	vld.idx.msk [tilespmem:v0+s20+$0x20 ss:$0x1], $0xffff;
	p0 =	sne.s32 s19, $0x10;
	[tilespmem:s31+$0xFFFFFFD0] =	vst v58  }
.Ltmp4:
0x41: {  	[tilespmem:s31+$0xFFFFFFE0] =	vst v59;
	(pc) =	sbr.rel @p0 .LBB1_3-.Ltmp4, $4  }
0x42: {  	[tilespmem:s31+$0xFFFFFFF0] =	vst v60  }
0x43: {  	[tilespmem:s31+$0x0] =	vst v61  }
0x44: {  	[tilespmem:s31+$0x10] =	vst v62  }
0x45: {  	s16 =	sadd.s32 $0x80, s16;
	s18 =	sadd.s32 $0x400, s18;
	[tilespmem:s31+$0x20] =	vst v63  }
.Ltmp5:
0x46: {  	(pc) =	sbr.rel .LBB1_7-.Ltmp5, $4  }
0x47: {  	s15 =	sshll.u32 s15, $0x12;
	s14 =	sshll.u32 s14, $0x4  }
0x48: {  	s14 =	sand.u32 $0x7FF0, s14;
	s15 =	sadd.s32 s6, s15  }
0x49: {  	s14 =	sadd.s32 s14, s15  }
0x4a: {  	[hbm4b:s14+s8] =	stream.strided.scatter [tilespmem:s17], [sflag:$0x2], $0x4000, s9, s8, $0x38;
	[tilespmem:$0x10000] =	vst v63  }
.LBB1_8:
0x4b: {  	_ =	sfence.sel $0x180000  }
0x4c: {  	s2 =	simm.s32 $0x1;
	[bflag:$0x0] =	sbarrier.arrive $0xFFFF  }
0x4d: {  	s31 =	simm.s32 $0x2;
	[sflag:s2] =	ssyncpa.u1 $0x1  }
0x4e: {  	[sflag:s31] =	ssyncpa.u1 $0x1  }
0x4f: {  	p0 =	sne.s32 s0, $0x0;
	_ =	strace $0x90000047  }
0x50: {  	s0 =	sadd.s32 @!p0 $0x100000, s1;
	[bflag:$0x2] =	sbarrier.arrive $0xFFFF  }
0x51: {  	[sflag:s0] =	ssyncadd.tile.s32 @!p0 $0x1;
	_ =	shalt  }
.Lfunc_end1:
_tile_overlayer_lowered:
.L_overlay_start_2:
0x52: {  	(tag) =	ssettag $0x2  }
0x53: {  	s0 =	rddreg [dreg:$0x0];
	s2 =	stileid.u32  }
0x54: {  	s1 =	rddreg [dreg:$0x1];
	p0 =	sne.s32 s2, $0x0  }
0x55: {  	s3 =	rddreg [dreg:$0x2];
	[bflag:$0x3] =	sbarrier.arrive $0xFFFF;
	s2 =	simm.s32 @!p0 $0x1C01  }
0x56: {  	[timem:s3], [sflag:s2] =	dma.local @!p0 [hbm:s0], s1  }
0x57: {  	s0 =	simm.s32 @!p0 $0x1  }
0x58: {  	_ =	swait.ge @!p0 [sflag:s0], s1  }
0x59: {  	s1 =	ssub.s32 @!p0 $0x0, s1;
	[sflag:s0] =	ssyncset.done @!p0 $0x0  }
0x5a: {  	[sflag:s0] =	ssyncadd.s32 @!p0 s1  }
0x5b: {  	[bflag:$0x3] =	sbarrier.arrive $0xFFFF  }
0x5c: {  	_ =	shalt  }

</sc_bundles>
